<compile_context>
chip_gen: v7x
topology: tpu7x:2x2x1
jax: 0.10.2.dev20260603
libtpu: 0.0.44.dev20260713+nightly
codegen_flags: <defaults>
</compile_context>

<pallas_src>
import functools

import jax
import jax.numpy as jnp
from jax import lax
from jax.experimental import pallas as pl
from jax.experimental.pallas import tpu as pltpu
from jax.experimental.pallas import tpu_sc as plsc

_L = 16


@functools.cache
def _build(B, HL, D, NE):
    info = plsc.get_sparse_core_info()
    NC, NS = info.num_cores, info.num_subcores
    NW = NC * NS
    D2 = 2 * D
    assert B % NW == 0
    bags_per_w = B // NW
    idx_per_w = bags_per_w * HL
    CB = 16
    n_chunks = bags_per_w // CB
    n_pairs = n_chunks // 2
    ipc = CB * HL
    n_vec = idx_per_w // _L

    mesh = plsc.VectorSubcoreMesh(core_axis_name="c", subcore_axis_name="s")

    @functools.partial(
        pl.kernel,
        out_type=(
            jax.ShapeDtypeStruct((B, D2), jnp.float32),
            jax.ShapeDtypeStruct((B * HL,), jnp.int32),
        ),
        mesh=mesh,
        scratch_types=[
            pltpu.VMEM((idx_per_w,), jnp.int32),
            pltpu.VMEM((idx_per_w,), jnp.int32),
            pltpu.VMEM((ipc, D2), jnp.float32),
            pltpu.VMEM((ipc, D2), jnp.float32),
            pltpu.VMEM((CB, D2), jnp.float32),
            pltpu.VMEM((CB, D2), jnp.float32),
            pltpu.SemaphoreType.DMA,
            pltpu.SemaphoreType.DMA,
            pltpu.SemaphoreType.DMA,
            pltpu.SemaphoreType.DMA,
        ],
    )
    def k(vals_hbm, table_hbm, out_hbm, remap_hbm, vals_v, idx_v,
          rows_a, rows_b, out_a, out_b, gsem_a, gsem_b, osem_a, osem_b):
        wid = lax.axis_index("s") * NC + lax.axis_index("c")
        base = wid * idx_per_w
        obase = wid * bags_per_w
        pltpu.sync_copy(vals_hbm.at[pl.ds(base, idx_per_w)], vals_v)

        def remap_body(j, _):
            v = vals_v[pl.ds(j * _L, _L)]
            idx_v[pl.ds(j * _L, _L)] = (v * 31 + 17) % NE
            return 0

        lax.fori_loop(0, n_vec, remap_body, 0)
        pltpu.sync_copy(idx_v, remap_hbm.at[pl.ds(base, idx_per_w)])

        def gather(c, rows, sem):
            return pltpu.async_copy(
                table_hbm.at[idx_v.at[pl.ds(c * ipc, ipc)]], rows, sem)

        def gather_wait(c, rows, sem):
            pltpu.make_async_copy(
                table_hbm.at[idx_v.at[pl.ds(c * ipc, ipc)]], rows, sem).wait()

        def pool(c, rows, out_v, osem):
            def bag_body(b, _):
                r0 = b * HL
                accs = [rows[r0, pl.ds(d * _L, _L)] for d in range(D // _L)]
                for l in range(1, HL):
                    for d in range(D // _L):
                        accs[d] += rows[r0 + l, pl.ds(d * _L, _L)]
                for d in range(D // _L):
                    out_v[b, pl.ds(d * _L, _L)] = accs[d]
                return 0

            lax.fori_loop(0, CB, bag_body, 0)
            pltpu.async_copy(out_v, out_hbm.at[pl.ds(obase + c * CB, CB)], osem)

        def out_wait(out_v, osem):
            pltpu.make_async_copy(out_v, out_hbm.at[pl.ds(obase, CB)], osem).wait()

        gather(0, rows_a, gsem_a)

        def pair_body(c2, _):
            c0 = 2 * c2
            gather(c0 + 1, rows_b, gsem_b)
            gather_wait(c0, rows_a, gsem_a)

            @pl.when(c2 > 0)
            def _():
                out_wait(out_a, osem_a)

            pool(c0, rows_a, out_a, osem_a)

            @pl.when(c2 < n_pairs - 1)
            def _():
                gather(c0 + 2, rows_a, gsem_a)

            gather_wait(c0 + 1, rows_b, gsem_b)

            @pl.when(c2 > 0)
            def _():
                out_wait(out_b, osem_b)

            pool(c0 + 1, rows_b, out_b, osem_b)
            return 0

        lax.fori_loop(0, n_pairs, pair_body, 0)
        out_wait(out_a, osem_a)
        out_wait(out_b, osem_b)

    return k


def kernel(values, table):
    B, HL = values.shape
    NE, D = table.shape
    table2 = jnp.pad(table, ((0, 0), (0, D)))
    pooled, remap = _build(B, HL, D, NE)(values.reshape(-1), table2)
    return pooled[:, :D], remap.reshape(B, HL)

# --- scband reference (transcript-rebuilt; emitter-appended) ---
"""Pipeline reference for scband-managed-collision-embedding-bag-collection-65335042507260 (READ-ONLY COPY).

The authoritative reference and input builder live on the scoring server;
editing this copy changes nothing except your own understanding.
"""

import jax, jax.numpy as jnp
import numpy as np

NUM_EMBEDDINGS = 1000000
EMBEDDING_DIM = 64
BATCH = 16384
HIST_LEN = 20
RAW_ID_SPACE = 50000000


def setup_inputs(seed: int = 0) -> dict:
    key = jax.random.key(seed)
    k_vals, k_tab = jax.random.split(key)
    # Raw (pre-collision-management) feature ids drawn from a large id space
    values = jax.random.randint(k_vals, (BATCH, HIST_LEN), 0, RAW_ID_SPACE, dtype=jnp.int32)
    # Embedding table parameter (EmbeddingBagCollection weight)
    table = jax.random.normal(k_tab, (NUM_EMBEDDINGS, EMBEDDING_DIM), dtype=jnp.float32) * 0.01
    return {"values": values, "table": table}


def reference(values, table):
    # ManagedCollisionCollection: hash-based remap of raw ids into the table's
    # [0, num_embeddings) range (MCH-style collision management).
    # values < 5e7, so values*31+17 fits comfortably in int32.
    remapped = jnp.mod(values * 31 + 17, NUM_EMBEDDINGS)
    # EmbeddingBagCollection: gather rows then sum-pool over each bag
    emb = jnp.take(table, remapped, axis=0)  # [B, L, D]
    pooled = jnp.sum(emb, axis=1)  # [B, D]  (KeyedTensor values)
    # return_remapped_features=True -> also return remapped KJT values
    return (pooled, remapped)

if __name__ == "__main__":
    import jax
    _d = setup_inputs()
    print(jax.jit(kernel)(*tuple(_d.values())))

</pallas_src>

<mosaic_0001>
#map = affine_map<(d0, d1) -> (0)>
#map1 = affine_map<(d0, d1) -> (0, 0)>
module attributes {stable_mosaic.version = 14 : i64} {
  func.func @k(%arg0: i32, %arg1: i32, %arg2: memref<327680xi32, #tpu.memory_space<hbm>>, %arg3: memref<1000000x128xf32, #tpu.memory_space<hbm>>, %arg4: memref<16384x128xf32, #tpu.memory_space<hbm>>, %arg5: memref<327680xi32, #tpu.memory_space<hbm>>, %arg6: memref<10240xi32, #tpu.memory_space<vmem>>, %arg7: memref<10240xi32, #tpu.memory_space<vmem>>, %arg8: memref<320x128xf32, #tpu.memory_space<vmem>>, %arg9: memref<320x128xf32, #tpu.memory_space<vmem>>, %arg10: memref<16x128xf32, #tpu.memory_space<vmem>>, %arg11: memref<16x128xf32, #tpu.memory_space<vmem>>, %arg12: memref<!tpu.dma_semaphore, #tpu.memory_space<semaphore_mem>>, %arg13: memref<!tpu.dma_semaphore, #tpu.memory_space<semaphore_mem>>, %arg14: memref<!tpu.dma_semaphore, #tpu.memory_space<semaphore_mem>>, %arg15: memref<!tpu.dma_semaphore, #tpu.memory_space<semaphore_mem>>) attributes {dimension_semantics = [#tpu.dimension_semantics<core_parallel>, #tpu.dimension_semantics<subcore_parallel>], iteration_bounds = array<i64: 2, 16>, scalar_prefetch = 0 : i64, scratch_operands = 10 : i64, tpu.core_type = #tpu.core_type<sc_vector_subcore>, window_params = [{transform_indices = #map}, {transform_indices = #map1}, {transform_indices = #map1}, {transform_indices = #map}]} {
    %mul3A = arith.constant 2 : i32
    %mul3A_0 = arith.muli %arg1, %mul3A : i32
    %add3A = arith.addi %mul3A_0, %arg0 : i32
    %mul3A_1 = arith.constant 10240 : i32
    %mul3A_2 = arith.muli %add3A, %mul3A_1 : i32
    %mul3A_3 = arith.constant 512 : i32
    %mul3A_4 = arith.muli %add3A, %mul3A_3 : i32
    "tpu.region"() ({
      %run_scoped3A = tpu.sem_alloc : memref<!tpu.dma_semaphore, #tpu.memory_space<semaphore_mem>>
      %dma_start3A_29 = tpu.memref_slice %arg2[%mul3A_2] : memref<327680xi32, #tpu.memory_space<hbm>> -> memref<10240xi32, #tpu.memory_space<hbm>>
      %dma_start3A_30 = tpu.memref_slice %arg2[%mul3A_2] : memref<327680xi32, #tpu.memory_space<hbm>> -> memref<10240xi32, #tpu.memory_space<hbm>>
      tpu.enqueue_dma source(%dma_start3A_30 : memref<10240xi32, #tpu.memory_space<hbm>>) target(%arg6 : memref<10240xi32, #tpu.memory_space<vmem>>) target_semaphore(%run_scoped3A : memref<!tpu.dma_semaphore, #tpu.memory_space<semaphore_mem>>)
      %dma_wait3A_31 = tpu.memref_slice %arg2[%mul3A_2] : memref<327680xi32, #tpu.memory_space<hbm>> -> memref<10240xi32, #tpu.memory_space<hbm>>
      %dma_wait3A_32 = tpu.memref_slice %arg2[%mul3A_2] : memref<327680xi32, #tpu.memory_space<hbm>> -> memref<10240xi32, #tpu.memory_space<hbm>>
      tpu.wait_dma2 semaphore(%run_scoped3A : memref<!tpu.dma_semaphore, #tpu.memory_space<semaphore_mem>>) src(%dma_wait3A_32 : memref<10240xi32, #tpu.memory_space<hbm>>) dst(%arg6 : memref<10240xi32, #tpu.memory_space<vmem>>)
      tpu.yield
    }) : () -> ()
    %scan3A = arith.constant 0 : i32
    %scan3A_5 = arith.constant 0 : i32
    %scan3A_6 = arith.constant 640 : i32
    %scan3A_7 = arith.addi %scan3A_5, %scan3A_6 : i32
    %scan3A_8 = arith.constant 1 : i32
    %scan3A_9 = scf.for %scan3A_29 = %scan3A_5 to %scan3A_7 step %scan3A_8 iter_args(%scan3A_30 = %scan3A) -> (i32)  : i32 {
      %mul3A_31 = arith.constant 16 : i32
      %mul3A_32 = arith.muli %scan3A_29, %mul3A_31 : i32
      %get3A = arith.index_cast %mul3A_32 : i32 to index
      %get3A_33 = tpu.vector_load %arg6[%get3A] {strides = array<i32>} : memref<10240xi32, #tpu.memory_space<vmem>>, vector<16xi32>,
      %get3A_34 = vector.shape_cast %get3A_33 : vector<16xi32> to vector<16xi32>
      %mul3A_35 = arith.constant 31 : i32
      %mul3A_36 = vector.broadcast %mul3A_35 : i32 to vector<16xi32>
      %mul3A_37 = arith.muli %get3A_34, %mul3A_36 : vector<16xi32>
      %add3A_38 = arith.constant 17 : i32
      %add3A_39 = vector.broadcast %add3A_38 : i32 to vector<16xi32>
      %add3A_40 = arith.addi %mul3A_37, %add3A_39 : vector<16xi32>
      %jit3A = arith.constant 1000000 : i32
      %eq3A = arith.constant 0 : i32
      %eq3A_41 = arith.cmpi eq, %jit3A, %eq3A : i32
      %jit3A_42 = arith.constant 1 : i32
      %select_n3A = arith.select %eq3A_41, %jit3A_42, %jit3A : i32
      %rem3A = vector.broadcast %select_n3A : i32 to vector<16xi32>
      %rem3A_43 = arith.remsi %add3A_40, %rem3A : vector<16xi32>
      %ne3A = arith.constant 0 : i32
      %ne3A_44 = vector.broadcast %ne3A : i32 to vector<16xi32>
      %ne3A_45 = arith.cmpi ne, %rem3A_43, %ne3A_44 : vector<16xi32>
      %lt3A = arith.constant 0 : i32
      %lt3A_46 = vector.broadcast %lt3A : i32 to vector<16xi32>
      %lt3A_47 = arith.cmpi slt, %rem3A_43, %lt3A_46 : vector<16xi32>
      %lt3A_48 = arith.constant 0 : i32
      %lt3A_49 = arith.cmpi slt, %select_n3A, %lt3A_48 : i32
      %ne3A_50 = vector.broadcast %lt3A_49 : i1 to vector<16xi1>
      %ne3A_51 = vector.broadcast %ne3A_50 : vector<16xi1> to vector<16xi1>
      %ne3A_52 = arith.xori %lt3A_47, %ne3A_51 : vector<16xi1>
      %and3A = arith.andi %ne3A_52, %ne3A_45 : vector<16xi1>
      %add3A_53 = vector.broadcast %select_n3A : i32 to vector<16xi32>
      %add3A_54 = arith.addi %rem3A_43, %add3A_53 : vector<16xi32>
      %select_n3A_55 = arith.select %and3A, %add3A_54, %rem3A_43 : vector<16xi1>, vector<16xi32>
      %mul3A_56 = arith.constant 16 : i32
      %mul3A_57 = arith.muli %scan3A_29, %mul3A_56 : i32
      %swap3A = arith.index_cast %mul3A_57 : i32 to index
      %swap3A_58 = tpu.vector_load %arg7[%swap3A] {strides = array<i32>} : memref<10240xi32, #tpu.memory_space<vmem>>, vector<16xi32>,
      %swap3A_59 = vector.shape_cast %swap3A_58 : vector<16xi32> to vector<16xi32>
      %swap3A_60 = vector.shape_cast %select_n3A_55 : vector<16xi32> to vector<16xi32>
      tpu.vector_store %arg7[%swap3A], %swap3A_60 {strides = array<i32>} : memref<10240xi32, #tpu.memory_space<vmem>>, vector<16xi32>,
      %scan3A_61 = arith.constant 0 : i32
      scf.yield %scan3A_61 : i32
    }
    %scan3A_10 = arith.constant 640 : i32
    "tpu.region"() ({
      %run_scoped3A = tpu.sem_alloc : memref<!tpu.dma_semaphore, #tpu.memory_space<semaphore_mem>>
      %dma_start3A_29 = tpu.memref_slice %arg5[%mul3A_2] : memref<327680xi32, #tpu.memory_space<hbm>> -> memref<10240xi32, #tpu.memory_space<hbm>>
      %dma_start3A_30 = tpu.memref_slice %arg5[%mul3A_2] : memref<327680xi32, #tpu.memory_space<hbm>> -> memref<10240xi32, #tpu.memory_space<hbm>>
      tpu.enqueue_dma source(%arg7 : memref<10240xi32, #tpu.memory_space<vmem>>) target(%dma_start3A_30 : memref<10240xi32, #tpu.memory_space<hbm>>) target_semaphore(%run_scoped3A : memref<!tpu.dma_semaphore, #tpu.memory_space<semaphore_mem>>)
      %dma_wait3A_31 = tpu.memref_slice %arg5[%mul3A_2] : memref<327680xi32, #tpu.memory_space<hbm>> -> memref<10240xi32, #tpu.memory_space<hbm>>
      %dma_wait3A_32 = tpu.memref_slice %arg5[%mul3A_2] : memref<327680xi32, #tpu.memory_space<hbm>> -> memref<10240xi32, #tpu.memory_space<hbm>>
      tpu.wait_dma2 semaphore(%run_scoped3A : memref<!tpu.dma_semaphore, #tpu.memory_space<semaphore_mem>>) src(%arg7 : memref<10240xi32, #tpu.memory_space<vmem>>) dst(%dma_wait3A_32 : memref<10240xi32, #tpu.memory_space<hbm>>)
      tpu.yield
    }) : () -> ()
    %dma_start3A = arith.constant 0 : i32
    %dma_start3A_11 = tpu.memref_slice %arg7[%dma_start3A] : memref<10240xi32, #tpu.memory_space<vmem>> -> memref<320xi32, #tpu.memory_space<vmem>>
    %dma_start3A_12 = arith.constant 0 : i32
    %dma_start3A_13 = arith.constant 0 : i32
    %dma_start3A_14 = tpu.memref_slice %arg3[%dma_start3A_12, %dma_start3A_13] : memref<1000000x128xf32, #tpu.memory_space<hbm>> -> memref<1000000x128xf32, #tpu.memory_space<hbm>>
    tpu.enqueue_indirect_dma source(%dma_start3A_14 : memref<1000000x128xf32, #tpu.memory_space<hbm>>) target(%arg8 : memref<320x128xf32, #tpu.memory_space<vmem>>) offsets(%dma_start3A_11 : memref<320xi32, #tpu.memory_space<vmem>>) semaphore(%arg12 : memref<!tpu.dma_semaphore, #tpu.memory_space<semaphore_mem>>)
    %scan3A_15 = arith.constant 0 : i32
    %scan3A_16 = arith.constant 0 : i32
    %scan3A_17 = arith.constant 16 : i32
    %scan3A_18 = arith.addi %scan3A_16, %scan3A_17 : i32
    %scan3A_19 = arith.constant 1 : i32
    %scan3A_20 = scf.for %scan3A_29 = %scan3A_16 to %scan3A_18 step %scan3A_19 iter_args(%scan3A_30 = %scan3A_15) -> (i32)  : i32 {
      %mul3A_31 = arith.constant 2 : i32
      %mul3A_32 = arith.muli %mul3A_31, %scan3A_29 : i32
      %add3A_33 = arith.constant 1 : i32
      %add3A_34 = arith.addi %mul3A_32, %add3A_33 : i32
      %mul3A_35 = arith.constant 320 : i32
      %mul3A_36 = arith.muli %add3A_34, %mul3A_35 : i32
      %dma_start3A_37 = tpu.memref_slice %arg7[%mul3A_36] : memref<10240xi32, #tpu.memory_space<vmem>> -> memref<320xi32, #tpu.memory_space<vmem>>
      %dma_start3A_38 = arith.constant 0 : i32
      %dma_start3A_39 = arith.constant 0 : i32
      %dma_start3A_40 = tpu.memref_slice %arg3[%dma_start3A_38, %dma_start3A_39] : memref<1000000x128xf32, #tpu.memory_space<hbm>> -> memref<1000000x128xf32, #tpu.memory_space<hbm>>
      tpu.enqueue_indirect_dma source(%dma_start3A_40 : memref<1000000x128xf32, #tpu.memory_space<hbm>>) target(%arg9 : memref<320x128xf32, #tpu.memory_space<vmem>>) offsets(%dma_start3A_37 : memref<320xi32, #tpu.memory_space<vmem>>) semaphore(%arg13 : memref<!tpu.dma_semaphore, #tpu.memory_space<semaphore_mem>>)
      %mul3A_41 = arith.constant 320 : i32
      %mul3A_42 = arith.muli %mul3A_32, %mul3A_41 : i32
      %dma_wait3A_43 = tpu.memref_slice %arg7[%mul3A_42] : memref<10240xi32, #tpu.memory_space<vmem>> -> memref<320xi32, #tpu.memory_space<vmem>>
      %dma_wait3A_44 = arith.constant 0 : i32
      %dma_wait3A_45 = arith.constant 0 : i32
      %dma_wait3A_46 = tpu.memref_slice %arg3[%dma_wait3A_44, %dma_wait3A_45] : memref<1000000x128xf32, #tpu.memory_space<hbm>> -> memref<1000000x128xf32, #tpu.memory_space<hbm>>
      tpu.wait_indirect_dma semaphore(%arg12 : memref<!tpu.dma_semaphore, #tpu.memory_space<semaphore_mem>>) src(%dma_wait3A_46 : memref<1000000x128xf32, #tpu.memory_space<hbm>>) dst(%arg8 : memref<320x128xf32, #tpu.memory_space<vmem>>)
      %gt3A = arith.constant 0 : i32
      %gt3A_47 = arith.cmpi sgt, %scan3A_29, %gt3A : i32
      %convert_element_type3A = arith.extui %gt3A_47 : i1 to i32
      %cond3A = arith.constant 0 : i32
      %cond3A_48 = arith.cmpi ne, %convert_element_type3A, %cond3A : i32
      scf.if %cond3A_48 {
        %dma_wait3A_97 = arith.constant 0 : i32
        %dma_wait3A_98 = tpu.memref_slice %arg4[%mul3A_4, %dma_wait3A_97] : memref<16384x128xf32, #tpu.memory_space<hbm>> -> memref<16x128xf32, #tpu.memory_space<hbm>>
        %dma_wait3A_99 = arith.constant 0 : i32
        %dma_wait3A_100 = tpu.memref_slice %arg4[%mul3A_4, %dma_wait3A_99] : memref<16384x128xf32, #tpu.memory_space<hbm>> -> memref<16x128xf32, #tpu.memory_space<hbm>>
        tpu.wait_dma2 semaphore(%arg14 : memref<!tpu.dma_semaphore, #tpu.memory_space<semaphore_mem>>) src(%arg10 : memref<16x128xf32, #tpu.memory_space<vmem>>) dst(%dma_wait3A_100 : memref<16x128xf32, #tpu.memory_space<hbm>>)
      } else {
      }
      %scan3A_49 = arith.constant 0 : i32
      %scan3A_50 = arith.constant 0 : i32
      %scan3A_51 = arith.constant 16 : i32
      %scan3A_52 = arith.addi %scan3A_50, %scan3A_51 : i32
      %scan3A_53 = arith.constant 1 : i32
      %scan3A_54 = scf.for %scan3A_97 = %scan3A_50 to %scan3A_52 step %scan3A_53 iter_args(%scan3A_98 = %scan3A_49) -> (i32)  : i32 {
        %mul3A_99 = arith.constant 20 : i32
        %mul3A_100 = arith.muli %scan3A_97, %mul3A_99 : i32
        %get3A = arith.index_cast %mul3A_100 : i32 to index
        %get3A_101 = arith.constant 0 : index
        %get3A_102 = tpu.vector_load %arg8[%get3A, %get3A_101] {strides = array<i32>} : memref<320x128xf32, #tpu.memory_space<vmem>>, vector<1x16xf32>,
        %get3A_103 = vector.shape_cast %get3A_102 : vector<1x16xf32> to vector<16xf32>
        %get3A_104 = arith.index_cast %mul3A_100 : i32 to index
        %get3A_105 = arith.constant 16 : index
        %get3A_106 = tpu.vector_load %arg8[%get3A_104, %get3A_105] {strides = array<i32>} : memref<320x128xf32, #tpu.memory_space<vmem>>, vector<1x16xf32>,
        %get3A_107 = vector.shape_cast %get3A_106 : vector<1x16xf32> to vector<16xf32>
        %get3A_108 = arith.index_cast %mul3A_100 : i32 to index
        %get3A_109 = arith.constant 32 : index
        %get3A_110 = tpu.vector_load %arg8[%get3A_108, %get3A_109] {strides = array<i32>} : memref<320x128xf32, #tpu.memory_space<vmem>>, vector<1x16xf32>,
        %get3A_111 = vector.shape_cast %get3A_110 : vector<1x16xf32> to vector<16xf32>
        %get3A_112 = arith.index_cast %mul3A_100 : i32 to index
        %get3A_113 = arith.constant 48 : index
        %get3A_114 = tpu.vector_load %arg8[%get3A_112, %get3A_113] {strides = array<i32>} : memref<320x128xf32, #tpu.memory_space<vmem>>, vector<1x16xf32>,
        %get3A_115 = vector.shape_cast %get3A_114 : vector<1x16xf32> to vector<16xf32>
        %add3A_116 = arith.constant 1 : i32
        %add3A_117 = arith.addi %mul3A_100, %add3A_116 : i32
        %get3A_118 = arith.index_cast %add3A_117 : i32 to index
        %get3A_119 = arith.constant 0 : index
        %get3A_120 = tpu.vector_load %arg8[%get3A_118, %get3A_119] {strides = array<i32>} : memref<320x128xf32, #tpu.memory_space<vmem>>, vector<1x16xf32>,
        %get3A_121 = vector.shape_cast %get3A_120 : vector<1x16xf32> to vector<16xf32>
        %add3A_122 = arith.addf %get3A_103, %get3A_121 : vector<16xf32>
        %add3A_123 = arith.constant 1 : i32
        %add3A_124 = arith.addi %mul3A_100, %add3A_123 : i32
        %get3A_125 = arith.index_cast %add3A_124 : i32 to index
        %get3A_126 = arith.constant 16 : index
        %get3A_127 = tpu.vector_load %arg8[%get3A_125, %get3A_126] {strides = array<i32>} : memref<320x128xf32, #tpu.memory_space<vmem>>, vector<1x16xf32>,
        %get3A_128 = vector.shape_cast %get3A_127 : vector<1x16xf32> to vector<16xf32>
        %add3A_129 = arith.addf %get3A_107, %get3A_128 : vector<16xf32>
        %add3A_130 = arith.constant 1 : i32
        %add3A_131 = arith.addi %mul3A_100, %add3A_130 : i32
        %get3A_132 = arith.index_cast %add3A_131 : i32 to index
        %get3A_133 = arith.constant 32 : index
        %get3A_134 = tpu.vector_load %arg8[%get3A_132, %get3A_133] {strides = array<i32>} : memref<320x128xf32, #tpu.memory_space<vmem>>, vector<1x16xf32>,
        %get3A_135 = vector.shape_cast %get3A_134 : vector<1x16xf32> to vector<16xf32>
        %add3A_136 = arith.addf %get3A_111, %get3A_135 : vector<16xf32>
        %add3A_137 = arith.constant 1 : i32
        %add3A_138 = arith.addi %mul3A_100, %add3A_137 : i32
        %get3A_139 = arith.index_cast %add3A_138 : i32 to index
        %get3A_140 = arith.constant 48 : index
        %get3A_141 = tpu.vector_load %arg8[%get3A_139, %get3A_140] {strides = array<i32>} : memref<320x128xf32, #tpu.memory_space<vmem>>, vector<1x16xf32>,
        %get3A_142 = vector.shape_cast %get3A_141 : vector<1x16xf32> to vector<16xf32>
        %add3A_143 = arith.addf %get3A_115, %get3A_142 : vector<16xf32>
        %add3A_144 = arith.constant 2 : i32
        %add3A_145 = arith.addi %mul3A_100, %add3A_144 : i32
        %get3A_146 = arith.index_cast %add3A_145 : i32 to index
        %get3A_147 = arith.constant 0 : index
        %get3A_148 = tpu.vector_load %arg8[%get3A_146, %get3A_147] {strides = array<i32>} : memref<320x128xf32, #tpu.memory_space<vmem>>, vector<1x16xf32>,
        %get3A_149 = vector.shape_cast %get3A_148 : vector<1x16xf32> to vector<16xf32>
        %add3A_150 = arith.addf %add3A_122, %get3A_149 : vector<16xf32>
        %add3A_151 = arith.constant 2 : i32
        %add3A_152 = arith.addi %mul3A_100, %add3A_151 : i32
        %get3A_153 = arith.index_cast %add3A_152 : i32 to index
        %get3A_154 = arith.constant 16 : index
        %get3A_155 = tpu.vector_load %arg8[%get3A_153, %get3A_154] {strides = array<i32>} : memref<320x128xf32, #tpu.memory_space<vmem>>, vector<1x16xf32>,
        %get3A_156 = vector.shape_cast %get3A_155 : vector<1x16xf32> to vector<16xf32>
        %add3A_157 = arith.addf %add3A_129, %get3A_156 : vector<16xf32>
        %add3A_158 = arith.constant 2 : i32
        %add3A_159 = arith.addi %mul3A_100, %add3A_158 : i32
        %get3A_160 = arith.index_cast %add3A_159 : i32 to index
        %get3A_161 = arith.constant 32 : index
        %get3A_162 = tpu.vector_load %arg8[%get3A_160, %get3A_161] {strides = array<i32>} : memref<320x128xf32, #tpu.memory_space<vmem>>, vector<1x16xf32>,
        %get3A_163 = vector.shape_cast %get3A_162 : vector<1x16xf32> to vector<16xf32>
        %add3A_164 = arith.addf %add3A_136, %get3A_163 : vector<16xf32>
        %add3A_165 = arith.constant 2 : i32
        %add3A_166 = arith.addi %mul3A_100, %add3A_165 : i32
        %get3A_167 = arith.index_cast %add3A_166 : i32 to index
        %get3A_168 = arith.constant 48 : index
        %get3A_169 = tpu.vector_load %arg8[%get3A_167, %get3A_168] {strides = array<i32>} : memref<320x128xf32, #tpu.memory_space<vmem>>, vector<1x16xf32>,
        %get3A_170 = vector.shape_cast %get3A_169 : vector<1x16xf32> to vector<16xf32>
        %add3A_171 = arith.addf %add3A_143, %get3A_170 : vector<16xf32>
        %add3A_172 = arith.constant 3 : i32
        %add3A_173 = arith.addi %mul3A_100, %add3A_172 : i32
        %get3A_174 = arith.index_cast %add3A_173 : i32 to index
        %get3A_175 = arith.constant 0 : index
        %get3A_176 = tpu.vector_load %arg8[%get3A_174, %get3A_175] {strides = array<i32>} : memref<320x128xf32, #tpu.memory_space<vmem>>, vector<1x16xf32>,
        %get3A_177 = vector.shape_cast %get3A_176 : vector<1x16xf32> to vector<16xf32>
        %add3A_178 = arith.addf %add3A_150, %get3A_177 : vector<16xf32>
        %add3A_179 = arith.constant 3 : i32
        %add3A_180 = arith.addi %mul3A_100, %add3A_179 : i32
        %get3A_181 = arith.index_cast %add3A_180 : i32 to index
        %get3A_182 = arith.constant 16 : index
        %get3A_183 = tpu.vector_load %arg8[%get3A_181, %get3A_182] {strides = array<i32>} : memref<320x128xf32, #tpu.memory_space<vmem>>, vector<1x16xf32>,
        %get3A_184 = vector.shape_cast %get3A_183 : vector<1x16xf32> to vector<16xf32>
        %add3A_185 = arith.addf %add3A_157, %get3A_184 : vector<16xf32>
        %add3A_186 = arith.constant 3 : i32
        %add3A_187 = arith.addi %mul3A_100, %add3A_186 : i32
        %get3A_188 = arith.index_cast %add3A_187 : i32 to index
        %get3A_189 = arith.constant 32 : index
        %get3A_190 = tpu.vector_load %arg8[%get3A_188, %get3A_189] {strides = array<i32>} : memref<320x128xf32, #tpu.memory_space<vmem>>, vector<1x16xf32>,
        %get3A_191 = vector.shape_cast %get3A_190 : vector<1x16xf32> to vector<16xf32>
        %add3A_192 = arith.addf %add3A_164, %get3A_191 : vector<16xf32>
        %add3A_193 = arith.constant 3 : i32
        %add3A_194 = arith.addi %mul3A_100, %add3A_193 : i32
        %get3A_195 = arith.index_cast %add3A_194 : i32 to index
        %get3A_196 = arith.constant 48 : index
        %get3A_197 = tpu.vector_load %arg8[%get3A_195, %get3A_196] {strides = array<i32>} : memref<320x128xf32, #tpu.memory_space<vmem>>, vector<1x16xf32>,
        %get3A_198 = vector.shape_cast %get3A_197 : vector<1x16xf32> to vector<16xf32>
        %add3A_199 = arith.addf %add3A_171, %get3A_198 : vector<16xf32>
        %add3A_200 = arith.constant 4 : i32
        %add3A_201 = arith.addi %mul3A_100, %add3A_200 : i32
        %get3A_202 = arith.index_cast %add3A_201 : i32 to index
        %get3A_203 = arith.constant 0 : index
        %get3A_204 = tpu.vector_load %arg8[%get3A_202, %get3A_203] {strides = array<i32>} : memref<320x128xf32, #tpu.memory_space<vmem>>, vector<1x16xf32>,
        %get3A_205 = vector.shape_cast %get3A_204 : vector<1x16xf32> to vector<16xf32>
        %add3A_206 = arith.addf %add3A_178, %get3A_205 : vector<16xf32>
        %add3A_207 = arith.constant 4 : i32
        %add3A_208 = arith.addi %mul3A_100, %add3A_207 : i32
        %get3A_209 = arith.index_cast %add3A_208 : i32 to index
        %get3A_210 = arith.constant 16 : index
        %get3A_211 = tpu.vector_load %arg8[%get3A_209, %get3A_210] {strides = array<i32>} : memref<320x128xf32, #tpu.memory_space<vmem>>, vector<1x16xf32>,
        %get3A_212 = vector.shape_cast %get3A_211 : vector<1x16xf32> to vector<16xf32>
        %add3A_213 = arith.addf %add3A_185, %get3A_212 : vector<16xf32>
        %add3A_214 = arith.constant 4 : i32
        %add3A_215 = arith.addi %mul3A_100, %add3A_214 : i32
        %get3A_216 = arith.index_cast %add3A_215 : i32 to index
        %get3A_217 = arith.constant 32 : index
        %get3A_218 = tpu.vector_load %arg8[%get3A_216, %get3A_217] {strides = array<i32>} : memref<320x128xf32, #tpu.memory_space<vmem>>, vector<1x16xf32>,
        %get3A_219 = vector.shape_cast %get3A_218 : vector<1x16xf32> to vector<16xf32>
        %add3A_220 = arith.addf %add3A_192, %get3A_219 : vector<16xf32>
        %add3A_221 = arith.constant 4 : i32
        %add3A_222 = arith.addi %mul3A_100, %add3A_221 : i32
        %get3A_223 = arith.index_cast %add3A_222 : i32 to index
        %get3A_224 = arith.constant 48 : index
        %get3A_225 = tpu.vector_load %arg8[%get3A_223, %get3A_224] {strides = array<i32>} : memref<320x128xf32, #tpu.memory_space<vmem>>, vector<1x16xf32>,
        %get3A_226 = vector.shape_cast %get3A_225 : vector<1x16xf32> to vector<16xf32>
        %add3A_227 = arith.addf %add3A_199, %get3A_226 : vector<16xf32>
        %add3A_228 = arith.constant 5 : i32
        %add3A_229 = arith.addi %mul3A_100, %add3A_228 : i32
        %get3A_230 = arith.index_cast %add3A_229 : i32 to index
        %get3A_231 = arith.constant 0 : index
        %get3A_232 = tpu.vector_load %arg8[%get3A_230, %get3A_231] {strides = array<i32>} : memref<320x128xf32, #tpu.memory_space<vmem>>, vector<1x16xf32>,
        %get3A_233 = vector.shape_cast %get3A_232 : vector<1x16xf32> to vector<16xf32>
        %add3A_234 = arith.addf %add3A_206, %get3A_233 : vector<16xf32>
        %add3A_235 = arith.constant 5 : i32
        %add3A_236 = arith.addi %mul3A_100, %add3A_235 : i32
        %get3A_237 = arith.index_cast %add3A_236 : i32 to index
        %get3A_238 = arith.constant 16 : index
        %get3A_239 = tpu.vector_load %arg8[%get3A_237, %get3A_238] {strides = array<i32>} : memref<320x128xf32, #tpu.memory_space<vmem>>, vector<1x16xf32>,
        %get3A_240 = vector.shape_cast %get3A_239 : vector<1x16xf32> to vector<16xf32>
        %add3A_241 = arith.addf %add3A_213, %get3A_240 : vector<16xf32>
        %add3A_242 = arith.constant 5 : i32
        %add3A_243 = arith.addi %mul3A_100, %add3A_242 : i32
        %get3A_244 = arith.index_cast %add3A_243 : i32 to index
        %get3A_245 = arith.constant 32 : index
        %get3A_246 = tpu.vector_load %arg8[%get3A_244, %get3A_245] {strides = array<i32>} : memref<320x128xf32, #tpu.memory_space<vmem>>, vector<1x16xf32>,
        %get3A_247 = vector.shape_cast %get3A_246 : vector<1x16xf32> to vector<16xf32>
        %add3A_248 = arith.addf %add3A_220, %get3A_247 : vector<16xf32>
        %add3A_249 = arith.constant 5 : i32
        %add3A_250 = arith.addi %mul3A_100, %add3A_249 : i32
        %get3A_251 = arith.index_cast %add3A_250 : i32 to index
        %get3A_252 = arith.constant 48 : index
        %get3A_253 = tpu.vector_load %arg8[%get3A_251, %get3A_252] {strides = array<i32>} : memref<320x128xf32, #tpu.memory_space<vmem>>, vector<1x16xf32>,
        %get3A_254 = vector.shape_cast %get3A_253 : vector<1x16xf32> to vector<16xf32>
        %add3A_255 = arith.addf %add3A_227, %get3A_254 : vector<16xf32>
        %add3A_256 = arith.constant 6 : i32
        %add3A_257 = arith.addi %mul3A_100, %add3A_256 : i32
        %get3A_258 = arith.index_cast %add3A_257 : i32 to index
        %get3A_259 = arith.constant 0 : index
        %get3A_260 = tpu.vector_load %arg8[%get3A_258, %get3A_259] {strides = array<i32>} : memref<320x128xf32, #tpu.memory_space<vmem>>, vector<1x16xf32>,
        %get3A_261 = vector.shape_cast %get3A_260 : vector<1x16xf32> to vector<16xf32>
        %add3A_262 = arith.addf %add3A_234, %get3A_261 : vector<16xf32>
        %add3A_263 = arith.constant 6 : i32
        %add3A_264 = arith.addi %mul3A_100, %add3A_263 : i32
        %get3A_265 = arith.index_cast %add3A_264 : i32 to index
        %get3A_266 = arith.constant 16 : index
        %get3A_267 = tpu.vector_load %arg8[%get3A_265, %get3A_266] {strides = array<i32>} : memref<320x128xf32, #tpu.memory_space<vmem>>, vector<1x16xf32>,
        %get3A_268 = vector.shape_cast %get3A_267 : vector<1x16xf32> to vector<16xf32>
        %add3A_269 = arith.addf %add3A_241, %get3A_268 : vector<16xf32>
        %add3A_270 = arith.constant 6 : i32
        %add3A_271 = arith.addi %mul3A_100, %add3A_270 : i32
        %get3A_272 = arith.index_cast %add3A_271 : i32 to index
        %get3A_273 = arith.constant 32 : index
        %get3A_274 = tpu.vector_load %arg8[%get3A_272, %get3A_273] {strides = array<i32>} : memref<320x128xf32, #tpu.memory_space<vmem>>, vector<1x16xf32>,
        %get3A_275 = vector.shape_cast %get3A_274 : vector<1x16xf32> to vector<16xf32>
        %add3A_276 = arith.addf %add3A_248, %get3A_275 : vector<16xf32>
        %add3A_277 = arith.constant 6 : i32
        %add3A_278 = arith.addi %mul3A_100, %add3A_277 : i32
        %get3A_279 = arith.index_cast %add3A_278 : i32 to index
        %get3A_280 = arith.constant 48 : index
        %get3A_281 = tpu.vector_load %arg8[%get3A_279, %get3A_280] {strides = array<i32>} : memref<320x128xf32, #tpu.memory_space<vmem>>, vector<1x16xf32>,
        %get3A_282 = vector.shape_cast %get3A_281 : vector<1x16xf32> to vector<16xf32>
        %add3A_283 = arith.addf %add3A_255, %get3A_282 : vector<16xf32>
        %add3A_284 = arith.constant 7 : i32
        %add3A_285 = arith.addi %mul3A_100, %add3A_284 : i32
        %get3A_286 = arith.index_cast %add3A_285 : i32 to index
        %get3A_287 = arith.constant 0 : index
        %get3A_288 = tpu.vector_load %arg8[%get3A_286, %get3A_287] {strides = array<i32>} : memref<320x128xf32, #tpu.memory_space<vmem>>, vector<1x16xf32>,
        %get3A_289 = vector.shape_cast %get3A_288 : vector<1x16xf32> to vector<16xf32>
        %add3A_290 = arith.addf %add3A_262, %get3A_289 : vector<16xf32>
        %add3A_291 = arith.constant 7 : i32
        %add3A_292 = arith.addi %mul3A_100, %add3A_291 : i32
        %get3A_293 = arith.index_cast %add3A_292 : i32 to index
        %get3A_294 = arith.constant 16 : index
        %get3A_295 = tpu.vector_load %arg8[%get3A_293, %get3A_294] {strides = array<i32>} : memref<320x128xf32, #tpu.memory_space<vmem>>, vector<1x16xf32>,
        %get3A_296 = vector.shape_cast %get3A_295 : vector<1x16xf32> to vector<16xf32>
        %add3A_297 = arith.addf %add3A_269, %get3A_296 : vector<16xf32>
        %add3A_298 = arith.constant 7 : i32
        %add3A_299 = arith.addi %mul3A_100, %add3A_298 : i32
        %get3A_300 = arith.index_cast %add3A_299 : i32 to index
        %get3A_301 = arith.constant 32 : index
        %get3A_302 = tpu.vector_load %arg8[%get3A_300, %get3A_301] {strides = array<i32>} : memref<320x128xf32, #tpu.memory_space<vmem>>, vector<1x16xf32>,
        %get3A_303 = vector.shape_cast %get3A_302 : vector<1x16xf32> to vector<16xf32>
        %add3A_304 = arith.addf %add3A_276, %get3A_303 : vector<16xf32>
        %add3A_305 = arith.constant 7 : i32
        %add3A_306 = arith.addi %mul3A_100, %add3A_305 : i32
        %get3A_307 = arith.index_cast %add3A_306 : i32 to index
        %get3A_308 = arith.constant 48 : index
        %get3A_309 = tpu.vector_load %arg8[%get3A_307, %get3A_308] {strides = array<i32>} : memref<320x128xf32, #tpu.memory_space<vmem>>, vector<1x16xf32>,
        %get3A_310 = vector.shape_cast %get3A_309 : vector<1x16xf32> to vector<16xf32>
        %add3A_311 = arith.addf %add3A_283, %get3A_310 : vector<16xf32>
        %add3A_312 = arith.constant 8 : i32
        %add3A_313 = arith.addi %mul3A_100, %add3A_312 : i32
        %get3A_314 = arith.index_cast %add3A_313 : i32 to index
        %get3A_315 = arith.constant 0 : index
        %get3A_316 = tpu.vector_load %arg8[%get3A_314, %get3A_315] {strides = array<i32>} : memref<320x128xf32, #tpu.memory_space<vmem>>, vector<1x16xf32>,
        %get3A_317 = vector.shape_cast %get3A_316 : vector<1x16xf32> to vector<16xf32>
        %add3A_318 = arith.addf %add3A_290, %get3A_317 : vector<16xf32>
        %add3A_319 = arith.constant 8 : i32
        %add3A_320 = arith.addi %mul3A_100, %add3A_319 : i32
        %get3A_321 = arith.index_cast %add3A_320 : i32 to index
        %get3A_322 = arith.constant 16 : index
        %get3A_323 = tpu.vector_load %arg8[%get3A_321, %get3A_322] {strides = array<i32>} : memref<320x128xf32, #tpu.memory_space<vmem>>, vector<1x16xf32>,
        %get3A_324 = vector.shape_cast %get3A_323 : vector<1x16xf32> to vector<16xf32>
        %add3A_325 = arith.addf %add3A_297, %get3A_324 : vector<16xf32>
        %add3A_326 = arith.constant 8 : i32
        %add3A_327 = arith.addi %mul3A_100, %add3A_326 : i32
        %get3A_328 = arith.index_cast %add3A_327 : i32 to index
        %get3A_329 = arith.constant 32 : index
        %get3A_330 = tpu.vector_load %arg8[%get3A_328, %get3A_329] {strides = array<i32>} : memref<320x128xf32, #tpu.memory_space<vmem>>, vector<1x16xf32>,
        %get3A_331 = vector.shape_cast %get3A_330 : vector<1x16xf32> to vector<16xf32>
        %add3A_332 = arith.addf %add3A_304, %get3A_331 : vector<16xf32>
        %add3A_333 = arith.constant 8 : i32
        %add3A_334 = arith.addi %mul3A_100, %add3A_333 : i32
        %get3A_335 = arith.index_cast %add3A_334 : i32 to index
        %get3A_336 = arith.constant 48 : index
        %get3A_337 = tpu.vector_load %arg8[%get3A_335, %get3A_336] {strides = array<i32>} : memref<320x128xf32, #tpu.memory_space<vmem>>, vector<1x16xf32>,
        %get3A_338 = vector.shape_cast %get3A_337 : vector<1x16xf32> to vector<16xf32>
        %add3A_339 = arith.addf %add3A_311, %get3A_338 : vector<16xf32>
        %add3A_340 = arith.constant 9 : i32
        %add3A_341 = arith.addi %mul3A_100, %add3A_340 : i32
        %get3A_342 = arith.index_cast %add3A_341 : i32 to index
        %get3A_343 = arith.constant 0 : index
        %get3A_344 = tpu.vector_load %arg8[%get3A_342, %get3A_343] {strides = array<i32>} : memref<320x128xf32, #tpu.memory_space<vmem>>, vector<1x16xf32>,
        %get3A_345 = vector.shape_cast %get3A_344 : vector<1x16xf32> to vector<16xf32>
        %add3A_346 = arith.addf %add3A_318, %get3A_345 : vector<16xf32>
        %add3A_347 = arith.constant 9 : i32
        %add3A_348 = arith.addi %mul3A_100, %add3A_347 : i32
        %get3A_349 = arith.index_cast %add3A_348 : i32 to index
        %get3A_350 = arith.constant 16 : index
        %get3A_351 = tpu.vector_load %arg8[%get3A_349, %get3A_350] {strides = array<i32>} : memref<320x128xf32, #tpu.memory_space<vmem>>, vector<1x16xf32>,
        %get3A_352 = vector.shape_cast %get3A_351 : vector<1x16xf32> to vector<16xf32>
        %add3A_353 = arith.addf %add3A_325, %get3A_352 : vector<16xf32>
        %add3A_354 = arith.constant 9 : i32
        %add3A_355 = arith.addi %mul3A_100, %add3A_354 : i32
        %get3A_356 = arith.index_cast %add3A_355 : i32 to index
        %get3A_357 = arith.constant 32 : index
        %get3A_358 = tpu.vector_load %arg8[%get3A_356, %get3A_357] {strides = array<i32>} : memref<320x128xf32, #tpu.memory_space<vmem>>, vector<1x16xf32>,
        %get3A_359 = vector.shape_cast %get3A_358 : vector<1x16xf32> to vector<16xf32>
        %add3A_360 = arith.addf %add3A_332, %get3A_359 : vector<16xf32>
        %add3A_361 = arith.constant 9 : i32
        %add3A_362 = arith.addi %mul3A_100, %add3A_361 : i32
        %get3A_363 = arith.index_cast %add3A_362 : i32 to index
        %get3A_364 = arith.constant 48 : index
        %get3A_365 = tpu.vector_load %arg8[%get3A_363, %get3A_364] {strides = array<i32>} : memref<320x128xf32, #tpu.memory_space<vmem>>, vector<1x16xf32>,
        %get3A_366 = vector.shape_cast %get3A_365 : vector<1x16xf32> to vector<16xf32>
        %add3A_367 = arith.addf %add3A_339, %get3A_366 : vector<16xf32>
        %add3A_368 = arith.constant 10 : i32
        %add3A_369 = arith.addi %mul3A_100, %add3A_368 : i32
        %get3A_370 = arith.index_cast %add3A_369 : i32 to index
        %get3A_371 = arith.constant 0 : index
        %get3A_372 = tpu.vector_load %arg8[%get3A_370, %get3A_371] {strides = array<i32>} : memref<320x128xf32, #tpu.memory_space<vmem>>, vector<1x16xf32>,
        %get3A_373 = vector.shape_cast %get3A_372 : vector<1x16xf32> to vector<16xf32>
        %add3A_374 = arith.addf %add3A_346, %get3A_373 : vector<16xf32>
        %add3A_375 = arith.constant 10 : i32
        %add3A_376 = arith.addi %mul3A_100, %add3A_375 : i32
        %get3A_377 = arith.index_cast %add3A_376 : i32 to index
        %get3A_378 = arith.constant 16 : index
        %get3A_379 = tpu.vector_load %arg8[%get3A_377, %get3A_378] {strides = array<i32>} : memref<320x128xf32, #tpu.memory_space<vmem>>, vector<1x16xf32>,
        %get3A_380 = vector.shape_cast %get3A_379 : vector<1x16xf32> to vector<16xf32>
        %add3A_381 = arith.addf %add3A_353, %get3A_380 : vector<16xf32>
        %add3A_382 = arith.constant 10 : i32
        %add3A_383 = arith.addi %mul3A_100, %add3A_382 : i32
        %get3A_384 = arith.index_cast %add3A_383 : i32 to index
        %get3A_385 = arith.constant 32 : index
        %get3A_386 = tpu.vector_load %arg8[%get3A_384, %get3A_385] {strides = array<i32>} : memref<320x128xf32, #tpu.memory_space<vmem>>, vector<1x16xf32>,
        %get3A_387 = vector.shape_cast %get3A_386 : vector<1x16xf32> to vector<16xf32>
        %add3A_388 = arith.addf %add3A_360, %get3A_387 : vector<16xf32>
        %add3A_389 = arith.constant 10 : i32
        %add3A_390 = arith.addi %mul3A_100, %add3A_389 : i32
        %get3A_391 = arith.index_cast %add3A_390 : i32 to index
        %get3A_392 = arith.constant 48 : index
        %get3A_393 = tpu.vector_load %arg8[%get3A_391, %get3A_392] {strides = array<i32>} : memref<320x128xf32, #tpu.memory_space<vmem>>, vector<1x16xf32>,
        %get3A_394 = vector.shape_cast %get3A_393 : vector<1x16xf32> to vector<16xf32>
        %add3A_395 = arith.addf %add3A_367, %get3A_394 : vector<16xf32>
        %add3A_396 = arith.constant 11 : i32
        %add3A_397 = arith.addi %mul3A_100, %add3A_396 : i32
        %get3A_398 = arith.index_cast %add3A_397 : i32 to index
        %get3A_399 = arith.constant 0 : index
        %get3A_400 = tpu.vector_load %arg8[%get3A_398, %get3A_399] {strides = array<i32>} : memref<320x128xf32, #tpu.memory_space<vmem>>, vector<1x16xf32>,
        %get3A_401 = vector.shape_cast %get3A_400 : vector<1x16xf32> to vector<16xf32>
        %add3A_402 = arith.addf %add3A_374, %get3A_401 : vector<16xf32>
        %add3A_403 = arith.constant 11 : i32
        %add3A_404 = arith.addi %mul3A_100, %add3A_403 : i32
        %get3A_405 = arith.index_cast %add3A_404 : i32 to index
        %get3A_406 = arith.constant 16 : index
        %get3A_407 = tpu.vector_load %arg8[%get3A_405, %get3A_406] {strides = array<i32>} : memref<320x128xf32, #tpu.memory_space<vmem>>, vector<1x16xf32>,
        %get3A_408 = vector.shape_cast %get3A_407 : vector<1x16xf32> to vector<16xf32>
        %add3A_409 = arith.addf %add3A_381, %get3A_408 : vector<16xf32>
        %add3A_410 = arith.constant 11 : i32
        %add3A_411 = arith.addi %mul3A_100, %add3A_410 : i32
        %get3A_412 = arith.index_cast %add3A_411 : i32 to index
        %get3A_413 = arith.constant 32 : index
        %get3A_414 = tpu.vector_load %arg8[%get3A_412, %get3A_413] {strides = array<i32>} : memref<320x128xf32, #tpu.memory_space<vmem>>, vector<1x16xf32>,
        %get3A_415 = vector.shape_cast %get3A_414 : vector<1x16xf32> to vector<16xf32>
        %add3A_416 = arith.addf %add3A_388, %get3A_415 : vector<16xf32>
        %add3A_417 = arith.constant 11 : i32
        %add3A_418 = arith.addi %mul3A_100, %add3A_417 : i32
        %get3A_419 = arith.index_cast %add3A_418 : i32 to index
        %get3A_420 = arith.constant 48 : index
        %get3A_421 = tpu.vector_load %arg8[%get3A_419, %get3A_420] {strides = array<i32>} : memref<320x128xf32, #tpu.memory_space<vmem>>, vector<1x16xf32>,
        %get3A_422 = vector.shape_cast %get3A_421 : vector<1x16xf32> to vector<16xf32>
        %add3A_423 = arith.addf %add3A_395, %get3A_422 : vector<16xf32>
        %add3A_424 = arith.constant 12 : i32
        %add3A_425 = arith.addi %mul3A_100, %add3A_424 : i32
        %get3A_426 = arith.index_cast %add3A_425 : i32 to index
        %get3A_427 = arith.constant 0 : index
        %get3A_428 = tpu.vector_load %arg8[%get3A_426, %get3A_427] {strides = array<i32>} : memref<320x128xf32, #tpu.memory_space<vmem>>, vector<1x16xf32>,
        %get3A_429 = vector.shape_cast %get3A_428 : vector<1x16xf32> to vector<16xf32>
        %add3A_430 = arith.addf %add3A_402, %get3A_429 : vector<16xf32>
        %add3A_431 = arith.constant 12 : i32
        %add3A_432 = arith.addi %mul3A_100, %add3A_431 : i32
        %get3A_433 = arith.index_cast %add3A_432 : i32 to index
        %get3A_434 = arith.constant 16 : index
        %get3A_435 = tpu.vector_load %arg8[%get3A_433, %get3A_434] {strides = array<i32>} : memref<320x128xf32, #tpu.memory_space<vmem>>, vector<1x16xf32>,
        %get3A_436 = vector.shape_cast %get3A_435 : vector<1x16xf32> to vector<16xf32>
        %add3A_437 = arith.addf %add3A_409, %get3A_436 : vector<16xf32>
        %add3A_438 = arith.constant 12 : i32
        %add3A_439 = arith.addi %mul3A_100, %add3A_438 : i32
        %get3A_440 = arith.index_cast %add3A_439 : i32 to index
        %get3A_441 = arith.constant 32 : index
        %get3A_442 = tpu.vector_load %arg8[%get3A_440, %get3A_441] {strides = array<i32>} : memref<320x128xf32, #tpu.memory_space<vmem>>, vector<1x16xf32>,
        %get3A_443 = vector.shape_cast %get3A_442 : vector<1x16xf32> to vector<16xf32>
        %add3A_444 = arith.addf %add3A_416, %get3A_443 : vector<16xf32>
        %add3A_445 = arith.constant 12 : i32
        %add3A_446 = arith.addi %mul3A_100, %add3A_445 : i32
        %get3A_447 = arith.index_cast %add3A_446 : i32 to index
        %get3A_448 = arith.constant 48 : index
        %get3A_449 = tpu.vector_load %arg8[%get3A_447, %get3A_448] {strides = array<i32>} : memref<320x128xf32, #tpu.memory_space<vmem>>, vector<1x16xf32>,
        %get3A_450 = vector.shape_cast %get3A_449 : vector<1x16xf32> to vector<16xf32>
        %add3A_451 = arith.addf %add3A_423, %get3A_450 : vector<16xf32>
        %add3A_452 = arith.constant 13 : i32
        %add3A_453 = arith.addi %mul3A_100, %add3A_452 : i32
        %get3A_454 = arith.index_cast %add3A_453 : i32 to index
        %get3A_455 = arith.constant 0 : index
        %get3A_456 = tpu.vector_load %arg8[%get3A_454, %get3A_455] {strides = array<i32>} : memref<320x128xf32, #tpu.memory_space<vmem>>, vector<1x16xf32>,
        %get3A_457 = vector.shape_cast %get3A_456 : vector<1x16xf32> to vector<16xf32>
        %add3A_458 = arith.addf %add3A_430, %get3A_457 : vector<16xf32>
        %add3A_459 = arith.constant 13 : i32
        %add3A_460 = arith.addi %mul3A_100, %add3A_459 : i32
        %get3A_461 = arith.index_cast %add3A_460 : i32 to index
        %get3A_462 = arith.constant 16 : index
        %get3A_463 = tpu.vector_load %arg8[%get3A_461, %get3A_462] {strides = array<i32>} : memref<320x128xf32, #tpu.memory_space<vmem>>, vector<1x16xf32>,
        %get3A_464 = vector.shape_cast %get3A_463 : vector<1x16xf32> to vector<16xf32>
        %add3A_465 = arith.addf %add3A_437, %get3A_464 : vector<16xf32>
        %add3A_466 = arith.constant 13 : i32
        %add3A_467 = arith.addi %mul3A_100, %add3A_466 : i32
        %get3A_468 = arith.index_cast %add3A_467 : i32 to index
        %get3A_469 = arith.constant 32 : index
        %get3A_470 = tpu.vector_load %arg8[%get3A_468, %get3A_469] {strides = array<i32>} : memref<320x128xf32, #tpu.memory_space<vmem>>, vector<1x16xf32>,
        %get3A_471 = vector.shape_cast %get3A_470 : vector<1x16xf32> to vector<16xf32>
        %add3A_472 = arith.addf %add3A_444, %get3A_471 : vector<16xf32>
        %add3A_473 = arith.constant 13 : i32
        %add3A_474 = arith.addi %mul3A_100, %add3A_473 : i32
        %get3A_475 = arith.index_cast %add3A_474 : i32 to index
        %get3A_476 = arith.constant 48 : index
        %get3A_477 = tpu.vector_load %arg8[%get3A_475, %get3A_476] {strides = array<i32>} : memref<320x128xf32, #tpu.memory_space<vmem>>, vector<1x16xf32>,
        %get3A_478 = vector.shape_cast %get3A_477 : vector<1x16xf32> to vector<16xf32>
        %add3A_479 = arith.addf %add3A_451, %get3A_478 : vector<16xf32>
        %add3A_480 = arith.constant 14 : i32
        %add3A_481 = arith.addi %mul3A_100, %add3A_480 : i32
        %get3A_482 = arith.index_cast %add3A_481 : i32 to index
        %get3A_483 = arith.constant 0 : index
        %get3A_484 = tpu.vector_load %arg8[%get3A_482, %get3A_483] {strides = array<i32>} : memref<320x128xf32, #tpu.memory_space<vmem>>, vector<1x16xf32>,
        %get3A_485 = vector.shape_cast %get3A_484 : vector<1x16xf32> to vector<16xf32>
        %add3A_486 = arith.addf %add3A_458, %get3A_485 : vector<16xf32>
        %add3A_487 = arith.constant 14 : i32
        %add3A_488 = arith.addi %mul3A_100, %add3A_487 : i32
        %get3A_489 = arith.index_cast %add3A_488 : i32 to index
        %get3A_490 = arith.constant 16 : index
        %get3A_491 = tpu.vector_load %arg8[%get3A_489, %get3A_490] {strides = array<i32>} : memref<320x128xf32, #tpu.memory_space<vmem>>, vector<1x16xf32>,
        %get3A_492 = vector.shape_cast %get3A_491 : vector<1x16xf32> to vector<16xf32>
        %add3A_493 = arith.addf %add3A_465, %get3A_492 : vector<16xf32>
        %add3A_494 = arith.constant 14 : i32
        %add3A_495 = arith.addi %mul3A_100, %add3A_494 : i32
        %get3A_496 = arith.index_cast %add3A_495 : i32 to index
        %get3A_497 = arith.constant 32 : index
        %get3A_498 = tpu.vector_load %arg8[%get3A_496, %get3A_497] {strides = array<i32>} : memref<320x128xf32, #tpu.memory_space<vmem>>, vector<1x16xf32>,
        %get3A_499 = vector.shape_cast %get3A_498 : vector<1x16xf32> to vector<16xf32>
        %add3A_500 = arith.addf %add3A_472, %get3A_499 : vector<16xf32>
        %add3A_501 = arith.constant 14 : i32
        %add3A_502 = arith.addi %mul3A_100, %add3A_501 : i32
        %get3A_503 = arith.index_cast %add3A_502 : i32 to index
        %get3A_504 = arith.constant 48 : index
        %get3A_505 = tpu.vector_load %arg8[%get3A_503, %get3A_504] {strides = array<i32>} : memref<320x128xf32, #tpu.memory_space<vmem>>, vector<1x16xf32>,
        %get3A_506 = vector.shape_cast %get3A_505 : vector<1x16xf32> to vector<16xf32>
        %add3A_507 = arith.addf %add3A_479, %get3A_506 : vector<16xf32>
        %add3A_508 = arith.constant 15 : i32
        %add3A_509 = arith.addi %mul3A_100, %add3A_508 : i32
        %get3A_510 = arith.index_cast %add3A_509 : i32 to index
        %get3A_511 = arith.constant 0 : index
        %get3A_512 = tpu.vector_load %arg8[%get3A_510, %get3A_511] {strides = array<i32>} : memref<320x128xf32, #tpu.memory_space<vmem>>, vector<1x16xf32>,
        %get3A_513 = vector.shape_cast %get3A_512 : vector<1x16xf32> to vector<16xf32>
        %add3A_514 = arith.addf %add3A_486, %get3A_513 : vector<16xf32>
        %add3A_515 = arith.constant 15 : i32
        %add3A_516 = arith.addi %mul3A_100, %add3A_515 : i32
        %get3A_517 = arith.index_cast %add3A_516 : i32 to index
        %get3A_518 = arith.constant 16 : index
        %get3A_519 = tpu.vector_load %arg8[%get3A_517, %get3A_518] {strides = array<i32>} : memref<320x128xf32, #tpu.memory_space<vmem>>, vector<1x16xf32>,
        %get3A_520 = vector.shape_cast %get3A_519 : vector<1x16xf32> to vector<16xf32>
        %add3A_521 = arith.addf %add3A_493, %get3A_520 : vector<16xf32>
        %add3A_522 = arith.constant 15 : i32
        %add3A_523 = arith.addi %mul3A_100, %add3A_522 : i32
        %get3A_524 = arith.index_cast %add3A_523 : i32 to index
        %get3A_525 = arith.constant 32 : index
        %get3A_526 = tpu.vector_load %arg8[%get3A_524, %get3A_525] {strides = array<i32>} : memref<320x128xf32, #tpu.memory_space<vmem>>, vector<1x16xf32>,
        %get3A_527 = vector.shape_cast %get3A_526 : vector<1x16xf32> to vector<16xf32>
        %add3A_528 = arith.addf %add3A_500, %get3A_527 : vector<16xf32>
        %add3A_529 = arith.constant 15 : i32
        %add3A_530 = arith.addi %mul3A_100, %add3A_529 : i32
        %get3A_531 = arith.index_cast %add3A_530 : i32 to index
        %get3A_532 = arith.constant 48 : index
        %get3A_533 = tpu.vector_load %arg8[%get3A_531, %get3A_532] {strides = array<i32>} : memref<320x128xf32, #tpu.memory_space<vmem>>, vector<1x16xf32>,
        %get3A_534 = vector.shape_cast %get3A_533 : vector<1x16xf32> to vector<16xf32>
        %add3A_535 = arith.addf %add3A_507, %get3A_534 : vector<16xf32>
        %add3A_536 = arith.constant 16 : i32
        %add3A_537 = arith.addi %mul3A_100, %add3A_536 : i32
        %get3A_538 = arith.index_cast %add3A_537 : i32 to index
        %get3A_539 = arith.constant 0 : index
        %get3A_540 = tpu.vector_load %arg8[%get3A_538, %get3A_539] {strides = array<i32>} : memref<320x128xf32, #tpu.memory_space<vmem>>, vector<1x16xf32>,
        %get3A_541 = vector.shape_cast %get3A_540 : vector<1x16xf32> to vector<16xf32>
        %add3A_542 = arith.addf %add3A_514, %get3A_541 : vector<16xf32>
        %add3A_543 = arith.constant 16 : i32
        %add3A_544 = arith.addi %mul3A_100, %add3A_543 : i32
        %get3A_545 = arith.index_cast %add3A_544 : i32 to index
        %get3A_546 = arith.constant 16 : index
        %get3A_547 = tpu.vector_load %arg8[%get3A_545, %get3A_546] {strides = array<i32>} : memref<320x128xf32, #tpu.memory_space<vmem>>, vector<1x16xf32>,
        %get3A_548 = vector.shape_cast %get3A_547 : vector<1x16xf32> to vector<16xf32>
        %add3A_549 = arith.addf %add3A_521, %get3A_548 : vector<16xf32>
        %add3A_550 = arith.constant 16 : i32
        %add3A_551 = arith.addi %mul3A_100, %add3A_550 : i32
        %get3A_552 = arith.index_cast %add3A_551 : i32 to index
        %get3A_553 = arith.constant 32 : index
        %get3A_554 = tpu.vector_load %arg8[%get3A_552, %get3A_553] {strides = array<i32>} : memref<320x128xf32, #tpu.memory_space<vmem>>, vector<1x16xf32>,
        %get3A_555 = vector.shape_cast %get3A_554 : vector<1x16xf32> to vector<16xf32>
        %add3A_556 = arith.addf %add3A_528, %get3A_555 : vector<16xf32>
        %add3A_557 = arith.constant 16 : i32
        %add3A_558 = arith.addi %mul3A_100, %add3A_557 : i32
        %get3A_559 = arith.index_cast %add3A_558 : i32 to index
        %get3A_560 = arith.constant 48 : index
        %get3A_561 = tpu.vector_load %arg8[%get3A_559, %get3A_560] {strides = array<i32>} : memref<320x128xf32, #tpu.memory_space<vmem>>, vector<1x16xf32>,
        %get3A_562 = vector.shape_cast %get3A_561 : vector<1x16xf32> to vector<16xf32>
        %add3A_563 = arith.addf %add3A_535, %get3A_562 : vector<16xf32>
        %add3A_564 = arith.constant 17 : i32
        %add3A_565 = arith.addi %mul3A_100, %add3A_564 : i32
        %get3A_566 = arith.index_cast %add3A_565 : i32 to index
        %get3A_567 = arith.constant 0 : index
        %get3A_568 = tpu.vector_load %arg8[%get3A_566, %get3A_567] {strides = array<i32>} : memref<320x128xf32, #tpu.memory_space<vmem>>, vector<1x16xf32>,
        %get3A_569 = vector.shape_cast %get3A_568 : vector<1x16xf32> to vector<16xf32>
        %add3A_570 = arith.addf %add3A_542, %get3A_569 : vector<16xf32>
        %add3A_571 = arith.constant 17 : i32
        %add3A_572 = arith.addi %mul3A_100, %add3A_571 : i32
        %get3A_573 = arith.index_cast %add3A_572 : i32 to index
        %get3A_574 = arith.constant 16 : index
        %get3A_575 = tpu.vector_load %arg8[%get3A_573, %get3A_574] {strides = array<i32>} : memref<320x128xf32, #tpu.memory_space<vmem>>, vector<1x16xf32>,
        %get3A_576 = vector.shape_cast %get3A_575 : vector<1x16xf32> to vector<16xf32>
        %add3A_577 = arith.addf %add3A_549, %get3A_576 : vector<16xf32>
        %add3A_578 = arith.constant 17 : i32
        %add3A_579 = arith.addi %mul3A_100, %add3A_578 : i32
        %get3A_580 = arith.index_cast %add3A_579 : i32 to index
        %get3A_581 = arith.constant 32 : index
        %get3A_582 = tpu.vector_load %arg8[%get3A_580, %get3A_581] {strides = array<i32>} : memref<320x128xf32, #tpu.memory_space<vmem>>, vector<1x16xf32>,
        %get3A_583 = vector.shape_cast %get3A_582 : vector<1x16xf32> to vector<16xf32>
        %add3A_584 = arith.addf %add3A_556, %get3A_583 : vector<16xf32>
        %add3A_585 = arith.constant 17 : i32
        %add3A_586 = arith.addi %mul3A_100, %add3A_585 : i32
        %get3A_587 = arith.index_cast %add3A_586 : i32 to index
        %get3A_588 = arith.constant 48 : index
        %get3A_589 = tpu.vector_load %arg8[%get3A_587, %get3A_588] {strides = array<i32>} : memref<320x128xf32, #tpu.memory_space<vmem>>, vector<1x16xf32>,
        %get3A_590 = vector.shape_cast %get3A_589 : vector<1x16xf32> to vector<16xf32>
        %add3A_591 = arith.addf %add3A_563, %get3A_590 : vector<16xf32>
        %add3A_592 = arith.constant 18 : i32
        %add3A_593 = arith.addi %mul3A_100, %add3A_592 : i32
        %get3A_594 = arith.index_cast %add3A_593 : i32 to index
        %get3A_595 = arith.constant 0 : index
        %get3A_596 = tpu.vector_load %arg8[%get3A_594, %get3A_595] {strides = array<i32>} : memref<320x128xf32, #tpu.memory_space<vmem>>, vector<1x16xf32>,
        %get3A_597 = vector.shape_cast %get3A_596 : vector<1x16xf32> to vector<16xf32>
        %add3A_598 = arith.addf %add3A_570, %get3A_597 : vector<16xf32>
        %add3A_599 = arith.constant 18 : i32
        %add3A_600 = arith.addi %mul3A_100, %add3A_599 : i32
        %get3A_601 = arith.index_cast %add3A_600 : i32 to index
        %get3A_602 = arith.constant 16 : index
        %get3A_603 = tpu.vector_load %arg8[%get3A_601, %get3A_602] {strides = array<i32>} : memref<320x128xf32, #tpu.memory_space<vmem>>, vector<1x16xf32>,
        %get3A_604 = vector.shape_cast %get3A_603 : vector<1x16xf32> to vector<16xf32>
        %add3A_605 = arith.addf %add3A_577, %get3A_604 : vector<16xf32>
        %add3A_606 = arith.constant 18 : i32
        %add3A_607 = arith.addi %mul3A_100, %add3A_606 : i32
        %get3A_608 = arith.index_cast %add3A_607 : i32 to index
        %get3A_609 = arith.constant 32 : index
        %get3A_610 = tpu.vector_load %arg8[%get3A_608, %get3A_609] {strides = array<i32>} : memref<320x128xf32, #tpu.memory_space<vmem>>, vector<1x16xf32>,
        %get3A_611 = vector.shape_cast %get3A_610 : vector<1x16xf32> to vector<16xf32>
        %add3A_612 = arith.addf %add3A_584, %get3A_611 : vector<16xf32>
        %add3A_613 = arith.constant 18 : i32
        %add3A_614 = arith.addi %mul3A_100, %add3A_613 : i32
        %get3A_615 = arith.index_cast %add3A_614 : i32 to index
        %get3A_616 = arith.constant 48 : index
        %get3A_617 = tpu.vector_load %arg8[%get3A_615, %get3A_616] {strides = array<i32>} : memref<320x128xf32, #tpu.memory_space<vmem>>, vector<1x16xf32>,
        %get3A_618 = vector.shape_cast %get3A_617 : vector<1x16xf32> to vector<16xf32>
        %add3A_619 = arith.addf %add3A_591, %get3A_618 : vector<16xf32>
        %add3A_620 = arith.constant 19 : i32
        %add3A_621 = arith.addi %mul3A_100, %add3A_620 : i32
        %get3A_622 = arith.index_cast %add3A_621 : i32 to index
        %get3A_623 = arith.constant 0 : index
        %get3A_624 = tpu.vector_load %arg8[%get3A_622, %get3A_623] {strides = array<i32>} : memref<320x128xf32, #tpu.memory_space<vmem>>, vector<1x16xf32>,
        %get3A_625 = vector.shape_cast %get3A_624 : vector<1x16xf32> to vector<16xf32>
        %add3A_626 = arith.addf %add3A_598, %get3A_625 : vector<16xf32>
        %add3A_627 = arith.constant 19 : i32
        %add3A_628 = arith.addi %mul3A_100, %add3A_627 : i32
        %get3A_629 = arith.index_cast %add3A_628 : i32 to index
        %get3A_630 = arith.constant 16 : index
        %get3A_631 = tpu.vector_load %arg8[%get3A_629, %get3A_630] {strides = array<i32>} : memref<320x128xf32, #tpu.memory_space<vmem>>, vector<1x16xf32>,
        %get3A_632 = vector.shape_cast %get3A_631 : vector<1x16xf32> to vector<16xf32>
        %add3A_633 = arith.addf %add3A_605, %get3A_632 : vector<16xf32>
        %add3A_634 = arith.constant 19 : i32
        %add3A_635 = arith.addi %mul3A_100, %add3A_634 : i32
        %get3A_636 = arith.index_cast %add3A_635 : i32 to index
        %get3A_637 = arith.constant 32 : index
        %get3A_638 = tpu.vector_load %arg8[%get3A_636, %get3A_637] {strides = array<i32>} : memref<320x128xf32, #tpu.memory_space<vmem>>, vector<1x16xf32>,
        %get3A_639 = vector.shape_cast %get3A_638 : vector<1x16xf32> to vector<16xf32>
        %add3A_640 = arith.addf %add3A_612, %get3A_639 : vector<16xf32>
        %add3A_641 = arith.constant 19 : i32
        %add3A_642 = arith.addi %mul3A_100, %add3A_641 : i32
        %get3A_643 = arith.index_cast %add3A_642 : i32 to index
        %get3A_644 = arith.constant 48 : index
        %get3A_645 = tpu.vector_load %arg8[%get3A_643, %get3A_644] {strides = array<i32>} : memref<320x128xf32, #tpu.memory_space<vmem>>, vector<1x16xf32>,
        %get3A_646 = vector.shape_cast %get3A_645 : vector<1x16xf32> to vector<16xf32>
        %add3A_647 = arith.addf %add3A_619, %get3A_646 : vector<16xf32>
        %swap3A = arith.index_cast %scan3A_97 : i32 to index
        %swap3A_648 = arith.constant 0 : index
        %swap3A_649 = tpu.vector_load %arg10[%swap3A, %swap3A_648] {strides = array<i32>} : memref<16x128xf32, #tpu.memory_space<vmem>>, vector<1x16xf32>,
        %swap3A_650 = vector.shape_cast %swap3A_649 : vector<1x16xf32> to vector<16xf32>
        %swap3A_651 = vector.shape_cast %add3A_626 : vector<16xf32> to vector<1x16xf32>
        tpu.vector_store %arg10[%swap3A, %swap3A_648], %swap3A_651 {strides = array<i32>} : memref<16x128xf32, #tpu.memory_space<vmem>>, vector<1x16xf32>,
        %swap3A_652 = arith.index_cast %scan3A_97 : i32 to index
        %swap3A_653 = arith.constant 16 : index
        %swap3A_654 = tpu.vector_load %arg10[%swap3A_652, %swap3A_653] {strides = array<i32>} : memref<16x128xf32, #tpu.memory_space<vmem>>, vector<1x16xf32>,
        %swap3A_655 = vector.shape_cast %swap3A_654 : vector<1x16xf32> to vector<16xf32>
        %swap3A_656 = vector.shape_cast %add3A_633 : vector<16xf32> to vector<1x16xf32>
        tpu.vector_store %arg10[%swap3A_652, %swap3A_653], %swap3A_656 {strides = array<i32>} : memref<16x128xf32, #tpu.memory_space<vmem>>, vector<1x16xf32>,
        %swap3A_657 = arith.index_cast %scan3A_97 : i32 to index
        %swap3A_658 = arith.constant 32 : index
        %swap3A_659 = tpu.vector_load %arg10[%swap3A_657, %swap3A_658] {strides = array<i32>} : memref<16x128xf32, #tpu.memory_space<vmem>>, vector<1x16xf32>,
        %swap3A_660 = vector.shape_cast %swap3A_659 : vector<1x16xf32> to vector<16xf32>
        %swap3A_661 = vector.shape_cast %add3A_640 : vector<16xf32> to vector<1x16xf32>
        tpu.vector_store %arg10[%swap3A_657, %swap3A_658], %swap3A_661 {strides = array<i32>} : memref<16x128xf32, #tpu.memory_space<vmem>>, vector<1x16xf32>,
        %swap3A_662 = arith.index_cast %scan3A_97 : i32 to index
        %swap3A_663 = arith.constant 48 : index
        %swap3A_664 = tpu.vector_load %arg10[%swap3A_662, %swap3A_663] {strides = array<i32>} : memref<16x128xf32, #tpu.memory_space<vmem>>, vector<1x16xf32>,
        %swap3A_665 = vector.shape_cast %swap3A_664 : vector<1x16xf32> to vector<16xf32>
        %swap3A_666 = vector.shape_cast %add3A_647 : vector<16xf32> to vector<1x16xf32>
        tpu.vector_store %arg10[%swap3A_662, %swap3A_663], %swap3A_666 {strides = array<i32>} : memref<16x128xf32, #tpu.memory_space<vmem>>, vector<1x16xf32>,
        %scan3A_667 = arith.constant 0 : i32
        scf.yield %scan3A_667 : i32
      }
      %scan3A_55 = arith.constant 16 : i32
      %mul3A_56 = arith.constant 16 : i32
      %mul3A_57 = arith.muli %mul3A_32, %mul3A_56 : i32
      %add3A_58 = arith.addi %mul3A_4, %mul3A_57 : i32
      %dma_start3A_59 = arith.constant 0 : i32
      %dma_start3A_60 = tpu.memref_slice %arg4[%add3A_58, %dma_start3A_59] : memref<16384x128xf32, #tpu.memory_space<hbm>> -> memref<16x128xf32, #tpu.memory_space<hbm>>
      %dma_start3A_61 = arith.constant 0 : i32
      %dma_start3A_62 = tpu.memref_slice %arg4[%add3A_58, %dma_start3A_61] : memref<16384x128xf32, #tpu.memory_space<hbm>> -> memref<16x128xf32, #tpu.memory_space<hbm>>
      tpu.enqueue_dma source(%arg10 : memref<16x128xf32, #tpu.memory_space<vmem>>) target(%dma_start3A_62 : memref<16x128xf32, #tpu.memory_space<hbm>>) target_semaphore(%arg14 : memref<!tpu.dma_semaphore, #tpu.memory_space<semaphore_mem>>)
      %lt3A = arith.constant 15 : i32
      %lt3A_63 = arith.cmpi slt, %scan3A_29, %lt3A : i32
      %convert_element_type3A_64 = arith.extui %lt3A_63 : i1 to i32
      %cond3A_65 = arith.constant 0 : i32
      %cond3A_66 = arith.cmpi ne, %convert_element_type3A_64, %cond3A_65 : i32
      scf.if %cond3A_66 {
        %add3A_97 = arith.constant 2 : i32
        %add3A_98 = arith.addi %mul3A_32, %add3A_97 : i32
        %mul3A_99 = arith.constant 320 : i32
        %mul3A_100 = arith.muli %add3A_98, %mul3A_99 : i32
        %dma_start3A_101 = tpu.memref_slice %arg7[%mul3A_100] : memref<10240xi32, #tpu.memory_space<vmem>> -> memref<320xi32, #tpu.memory_space<vmem>>
        %dma_start3A_102 = arith.constant 0 : i32
        %dma_start3A_103 = arith.constant 0 : i32
        %dma_start3A_104 = tpu.memref_slice %arg3[%dma_start3A_102, %dma_start3A_103] : memref<1000000x128xf32, #tpu.memory_space<hbm>> -> memref<1000000x128xf32, #tpu.memory_space<hbm>>
        tpu.enqueue_indirect_dma source(%dma_start3A_104 : memref<1000000x128xf32, #tpu.memory_space<hbm>>) target(%arg8 : memref<320x128xf32, #tpu.memory_space<vmem>>) offsets(%dma_start3A_101 : memref<320xi32, #tpu.memory_space<vmem>>) semaphore(%arg12 : memref<!tpu.dma_semaphore, #tpu.memory_space<semaphore_mem>>)
      } else {
      }
      %add3A_67 = arith.constant 1 : i32
      %add3A_68 = arith.addi %mul3A_32, %add3A_67 : i32
      %mul3A_69 = arith.constant 320 : i32
      %mul3A_70 = arith.muli %add3A_68, %mul3A_69 : i32
      %dma_wait3A_71 = tpu.memref_slice %arg7[%mul3A_70] : memref<10240xi32, #tpu.memory_space<vmem>> -> memref<320xi32, #tpu.memory_space<vmem>>
      %dma_wait3A_72 = arith.constant 0 : i32
      %dma_wait3A_73 = arith.constant 0 : i32
      %dma_wait3A_74 = tpu.memref_slice %arg3[%dma_wait3A_72, %dma_wait3A_73] : memref<1000000x128xf32, #tpu.memory_space<hbm>> -> memref<1000000x128xf32, #tpu.memory_space<hbm>>
      tpu.wait_indirect_dma semaphore(%arg13 : memref<!tpu.dma_semaphore, #tpu.memory_space<semaphore_mem>>) src(%dma_wait3A_74 : memref<1000000x128xf32, #tpu.memory_space<hbm>>) dst(%arg9 : memref<320x128xf32, #tpu.memory_space<vmem>>)
      %gt3A_75 = arith.constant 0 : i32
      %gt3A_76 = arith.cmpi sgt, %scan3A_29, %gt3A_75 : i32
      %convert_element_type3A_77 = arith.extui %gt3A_76 : i1 to i32
      %cond3A_78 = arith.constant 0 : i32
      %cond3A_79 = arith.cmpi ne, %convert_element_type3A_77, %cond3A_78 : i32
      scf.if %cond3A_79 {
        %dma_wait3A_97 = arith.constant 0 : i32
        %dma_wait3A_98 = tpu.memref_slice %arg4[%mul3A_4, %dma_wait3A_97] : memref<16384x128xf32, #tpu.memory_space<hbm>> -> memref<16x128xf32, #tpu.memory_space<hbm>>
        %dma_wait3A_99 = arith.constant 0 : i32
        %dma_wait3A_100 = tpu.memref_slice %arg4[%mul3A_4, %dma_wait3A_99] : memref<16384x128xf32, #tpu.memory_space<hbm>> -> memref<16x128xf32, #tpu.memory_space<hbm>>
        tpu.wait_dma2 semaphore(%arg15 : memref<!tpu.dma_semaphore, #tpu.memory_space<semaphore_mem>>) src(%arg11 : memref<16x128xf32, #tpu.memory_space<vmem>>) dst(%dma_wait3A_100 : memref<16x128xf32, #tpu.memory_space<hbm>>)
      } else {
      }
      %add3A_80 = arith.constant 1 : i32
      %add3A_81 = arith.addi %mul3A_32, %add3A_80 : i32
      %scan3A_82 = arith.constant 0 : i32
      %scan3A_83 = arith.constant 0 : i32
      %scan3A_84 = arith.constant 16 : i32
      %scan3A_85 = arith.addi %scan3A_83, %scan3A_84 : i32
      %scan3A_86 = arith.constant 1 : i32
      %scan3A_87 = scf.for %scan3A_97 = %scan3A_83 to %scan3A_85 step %scan3A_86 iter_args(%scan3A_98 = %scan3A_82) -> (i32)  : i32 {
        %mul3A_99 = arith.constant 20 : i32
        %mul3A_100 = arith.muli %scan3A_97, %mul3A_99 : i32
        %get3A = arith.index_cast %mul3A_100 : i32 to index
        %get3A_101 = arith.constant 0 : index
        %get3A_102 = tpu.vector_load %arg9[%get3A, %get3A_101] {strides = array<i32>} : memref<320x128xf32, #tpu.memory_space<vmem>>, vector<1x16xf32>,
        %get3A_103 = vector.shape_cast %get3A_102 : vector<1x16xf32> to vector<16xf32>
        %get3A_104 = arith.index_cast %mul3A_100 : i32 to index
        %get3A_105 = arith.constant 16 : index
        %get3A_106 = tpu.vector_load %arg9[%get3A_104, %get3A_105] {strides = array<i32>} : memref<320x128xf32, #tpu.memory_space<vmem>>, vector<1x16xf32>,
        %get3A_107 = vector.shape_cast %get3A_106 : vector<1x16xf32> to vector<16xf32>
        %get3A_108 = arith.index_cast %mul3A_100 : i32 to index
        %get3A_109 = arith.constant 32 : index
        %get3A_110 = tpu.vector_load %arg9[%get3A_108, %get3A_109] {strides = array<i32>} : memref<320x128xf32, #tpu.memory_space<vmem>>, vector<1x16xf32>,
        %get3A_111 = vector.shape_cast %get3A_110 : vector<1x16xf32> to vector<16xf32>
        %get3A_112 = arith.index_cast %mul3A_100 : i32 to index
        %get3A_113 = arith.constant 48 : index
        %get3A_114 = tpu.vector_load %arg9[%get3A_112, %get3A_113] {strides = array<i32>} : memref<320x128xf32, #tpu.memory_space<vmem>>, vector<1x16xf32>,
        %get3A_115 = vector.shape_cast %get3A_114 : vector<1x16xf32> to vector<16xf32>
        %add3A_116 = arith.constant 1 : i32
        %add3A_117 = arith.addi %mul3A_100, %add3A_116 : i32
        %get3A_118 = arith.index_cast %add3A_117 : i32 to index
        %get3A_119 = arith.constant 0 : index
        %get3A_120 = tpu.vector_load %arg9[%get3A_118, %get3A_119] {strides = array<i32>} : memref<320x128xf32, #tpu.memory_space<vmem>>, vector<1x16xf32>,
        %get3A_121 = vector.shape_cast %get3A_120 : vector<1x16xf32> to vector<16xf32>
        %add3A_122 = arith.addf %get3A_103, %get3A_121 : vector<16xf32>
        %add3A_123 = arith.constant 1 : i32
        %add3A_124 = arith.addi %mul3A_100, %add3A_123 : i32
        %get3A_125 = arith.index_cast %add3A_124 : i32 to index
        %get3A_126 = arith.constant 16 : index
        %get3A_127 = tpu.vector_load %arg9[%get3A_125, %get3A_126] {strides = array<i32>} : memref<320x128xf32, #tpu.memory_space<vmem>>, vector<1x16xf32>,
        %get3A_128 = vector.shape_cast %get3A_127 : vector<1x16xf32> to vector<16xf32>
        %add3A_129 = arith.addf %get3A_107, %get3A_128 : vector<16xf32>
        %add3A_130 = arith.constant 1 : i32
        %add3A_131 = arith.addi %mul3A_100, %add3A_130 : i32
        %get3A_132 = arith.index_cast %add3A_131 : i32 to index
        %get3A_133 = arith.constant 32 : index
        %get3A_134 = tpu.vector_load %arg9[%get3A_132, %get3A_133] {strides = array<i32>} : memref<320x128xf32, #tpu.memory_space<vmem>>, vector<1x16xf32>,
        %get3A_135 = vector.shape_cast %get3A_134 : vector<1x16xf32> to vector<16xf32>
        %add3A_136 = arith.addf %get3A_111, %get3A_135 : vector<16xf32>
        %add3A_137 = arith.constant 1 : i32
        %add3A_138 = arith.addi %mul3A_100, %add3A_137 : i32
        %get3A_139 = arith.index_cast %add3A_138 : i32 to index
        %get3A_140 = arith.constant 48 : index
        %get3A_141 = tpu.vector_load %arg9[%get3A_139, %get3A_140] {strides = array<i32>} : memref<320x128xf32, #tpu.memory_space<vmem>>, vector<1x16xf32>,
        %get3A_142 = vector.shape_cast %get3A_141 : vector<1x16xf32> to vector<16xf32>
        %add3A_143 = arith.addf %get3A_115, %get3A_142 : vector<16xf32>
        %add3A_144 = arith.constant 2 : i32
        %add3A_145 = arith.addi %mul3A_100, %add3A_144 : i32
        %get3A_146 = arith.index_cast %add3A_145 : i32 to index
        %get3A_147 = arith.constant 0 : index
        %get3A_148 = tpu.vector_load %arg9[%get3A_146, %get3A_147] {strides = array<i32>} : memref<320x128xf32, #tpu.memory_space<vmem>>, vector<1x16xf32>,
        %get3A_149 = vector.shape_cast %get3A_148 : vector<1x16xf32> to vector<16xf32>
        %add3A_150 = arith.addf %add3A_122, %get3A_149 : vector<16xf32>
        %add3A_151 = arith.constant 2 : i32
        %add3A_152 = arith.addi %mul3A_100, %add3A_151 : i32
        %get3A_153 = arith.index_cast %add3A_152 : i32 to index
        %get3A_154 = arith.constant 16 : index
        %get3A_155 = tpu.vector_load %arg9[%get3A_153, %get3A_154] {strides = array<i32>} : memref<320x128xf32, #tpu.memory_space<vmem>>, vector<1x16xf32>,
        %get3A_156 = vector.shape_cast %get3A_155 : vector<1x16xf32> to vector<16xf32>
        %add3A_157 = arith.addf %add3A_129, %get3A_156 : vector<16xf32>
        %add3A_158 = arith.constant 2 : i32
        %add3A_159 = arith.addi %mul3A_100, %add3A_158 : i32
        %get3A_160 = arith.index_cast %add3A_159 : i32 to index
        %get3A_161 = arith.constant 32 : index
        %get3A_162 = tpu.vector_load %arg9[%get3A_160, %get3A_161] {strides = array<i32>} : memref<320x128xf32, #tpu.memory_space<vmem>>, vector<1x16xf32>,
        %get3A_163 = vector.shape_cast %get3A_162 : vector<1x16xf32> to vector<16xf32>
        %add3A_164 = arith.addf %add3A_136, %get3A_163 : vector<16xf32>
        %add3A_165 = arith.constant 2 : i32
        %add3A_166 = arith.addi %mul3A_100, %add3A_165 : i32
        %get3A_167 = arith.index_cast %add3A_166 : i32 to index
        %get3A_168 = arith.constant 48 : index
        %get3A_169 = tpu.vector_load %arg9[%get3A_167, %get3A_168] {strides = array<i32>} : memref<320x128xf32, #tpu.memory_space<vmem>>, vector<1x16xf32>,
        %get3A_170 = vector.shape_cast %get3A_169 : vector<1x16xf32> to vector<16xf32>
        %add3A_171 = arith.addf %add3A_143, %get3A_170 : vector<16xf32>
        %add3A_172 = arith.constant 3 : i32
        %add3A_173 = arith.addi %mul3A_100, %add3A_172 : i32
        %get3A_174 = arith.index_cast %add3A_173 : i32 to index
        %get3A_175 = arith.constant 0 : index
        %get3A_176 = tpu.vector_load %arg9[%get3A_174, %get3A_175] {strides = array<i32>} : memref<320x128xf32, #tpu.memory_space<vmem>>, vector<1x16xf32>,
        %get3A_177 = vector.shape_cast %get3A_176 : vector<1x16xf32> to vector<16xf32>
        %add3A_178 = arith.addf %add3A_150, %get3A_177 : vector<16xf32>
        %add3A_179 = arith.constant 3 : i32
        %add3A_180 = arith.addi %mul3A_100, %add3A_179 : i32
        %get3A_181 = arith.index_cast %add3A_180 : i32 to index
        %get3A_182 = arith.constant 16 : index
        %get3A_183 = tpu.vector_load %arg9[%get3A_181, %get3A_182] {strides = array<i32>} : memref<320x128xf32, #tpu.memory_space<vmem>>, vector<1x16xf32>,
        %get3A_184 = vector.shape_cast %get3A_183 : vector<1x16xf32> to vector<16xf32>
        %add3A_185 = arith.addf %add3A_157, %get3A_184 : vector<16xf32>
        %add3A_186 = arith.constant 3 : i32
        %add3A_187 = arith.addi %mul3A_100, %add3A_186 : i32
        %get3A_188 = arith.index_cast %add3A_187 : i32 to index
        %get3A_189 = arith.constant 32 : index
        %get3A_190 = tpu.vector_load %arg9[%get3A_188, %get3A_189] {strides = array<i32>} : memref<320x128xf32, #tpu.memory_space<vmem>>, vector<1x16xf32>,
        %get3A_191 = vector.shape_cast %get3A_190 : vector<1x16xf32> to vector<16xf32>
        %add3A_192 = arith.addf %add3A_164, %get3A_191 : vector<16xf32>
        %add3A_193 = arith.constant 3 : i32
        %add3A_194 = arith.addi %mul3A_100, %add3A_193 : i32
        %get3A_195 = arith.index_cast %add3A_194 : i32 to index
        %get3A_196 = arith.constant 48 : index
        %get3A_197 = tpu.vector_load %arg9[%get3A_195, %get3A_196] {strides = array<i32>} : memref<320x128xf32, #tpu.memory_space<vmem>>, vector<1x16xf32>,
        %get3A_198 = vector.shape_cast %get3A_197 : vector<1x16xf32> to vector<16xf32>
        %add3A_199 = arith.addf %add3A_171, %get3A_198 : vector<16xf32>
        %add3A_200 = arith.constant 4 : i32
        %add3A_201 = arith.addi %mul3A_100, %add3A_200 : i32
        %get3A_202 = arith.index_cast %add3A_201 : i32 to index
        %get3A_203 = arith.constant 0 : index
        %get3A_204 = tpu.vector_load %arg9[%get3A_202, %get3A_203] {strides = array<i32>} : memref<320x128xf32, #tpu.memory_space<vmem>>, vector<1x16xf32>,
        %get3A_205 = vector.shape_cast %get3A_204 : vector<1x16xf32> to vector<16xf32>
        %add3A_206 = arith.addf %add3A_178, %get3A_205 : vector<16xf32>
        %add3A_207 = arith.constant 4 : i32
        %add3A_208 = arith.addi %mul3A_100, %add3A_207 : i32
        %get3A_209 = arith.index_cast %add3A_208 : i32 to index
        %get3A_210 = arith.constant 16 : index
        %get3A_211 = tpu.vector_load %arg9[%get3A_209, %get3A_210] {strides = array<i32>} : memref<320x128xf32, #tpu.memory_space<vmem>>, vector<1x16xf32>,
        %get3A_212 = vector.shape_cast %get3A_211 : vector<1x16xf32> to vector<16xf32>
        %add3A_213 = arith.addf %add3A_185, %get3A_212 : vector<16xf32>
        %add3A_214 = arith.constant 4 : i32
        %add3A_215 = arith.addi %mul3A_100, %add3A_214 : i32
        %get3A_216 = arith.index_cast %add3A_215 : i32 to index
        %get3A_217 = arith.constant 32 : index
        %get3A_218 = tpu.vector_load %arg9[%get3A_216, %get3A_217] {strides = array<i32>} : memref<320x128xf32, #tpu.memory_space<vmem>>, vector<1x16xf32>,
        %get3A_219 = vector.shape_cast %get3A_218 : vector<1x16xf32> to vector<16xf32>
        %add3A_220 = arith.addf %add3A_192, %get3A_219 : vector<16xf32>
        %add3A_221 = arith.constant 4 : i32
        %add3A_222 = arith.addi %mul3A_100, %add3A_221 : i32
        %get3A_223 = arith.index_cast %add3A_222 : i32 to index
        %get3A_224 = arith.constant 48 : index
        %get3A_225 = tpu.vector_load %arg9[%get3A_223, %get3A_224] {strides = array<i32>} : memref<320x128xf32, #tpu.memory_space<vmem>>, vector<1x16xf32>,
        %get3A_226 = vector.shape_cast %get3A_225 : vector<1x16xf32> to vector<16xf32>
        %add3A_227 = arith.addf %add3A_199, %get3A_226 : vector<16xf32>
        %add3A_228 = arith.constant 5 : i32
        %add3A_229 = arith.addi %mul3A_100, %add3A_228 : i32
        %get3A_230 = arith.index_cast %add3A_229 : i32 to index
        %get3A_231 = arith.constant 0 : index
        %get3A_232 = tpu.vector_load %arg9[%get3A_230, %get3A_231] {strides = array<i32>} : memref<320x128xf32, #tpu.memory_space<vmem>>, vector<1x16xf32>,
        %get3A_233 = vector.shape_cast %get3A_232 : vector<1x16xf32> to vector<16xf32>
        %add3A_234 = arith.addf %add3A_206, %get3A_233 : vector<16xf32>
        %add3A_235 = arith.constant 5 : i32
        %add3A_236 = arith.addi %mul3A_100, %add3A_235 : i32
        %get3A_237 = arith.index_cast %add3A_236 : i32 to index
        %get3A_238 = arith.constant 16 : index
        %get3A_239 = tpu.vector_load %arg9[%get3A_237, %get3A_238] {strides = array<i32>} : memref<320x128xf32, #tpu.memory_space<vmem>>, vector<1x16xf32>,
        %get3A_240 = vector.shape_cast %get3A_239 : vector<1x16xf32> to vector<16xf32>
        %add3A_241 = arith.addf %add3A_213, %get3A_240 : vector<16xf32>
        %add3A_242 = arith.constant 5 : i32
        %add3A_243 = arith.addi %mul3A_100, %add3A_242 : i32
        %get3A_244 = arith.index_cast %add3A_243 : i32 to index
        %get3A_245 = arith.constant 32 : index
        %get3A_246 = tpu.vector_load %arg9[%get3A_244, %get3A_245] {strides = array<i32>} : memref<320x128xf32, #tpu.memory_space<vmem>>, vector<1x16xf32>,
        %get3A_247 = vector.shape_cast %get3A_246 : vector<1x16xf32> to vector<16xf32>
        %add3A_248 = arith.addf %add3A_220, %get3A_247 : vector<16xf32>
        %add3A_249 = arith.constant 5 : i32
        %add3A_250 = arith.addi %mul3A_100, %add3A_249 : i32
        %get3A_251 = arith.index_cast %add3A_250 : i32 to index
        %get3A_252 = arith.constant 48 : index
        %get3A_253 = tpu.vector_load %arg9[%get3A_251, %get3A_252] {strides = array<i32>} : memref<320x128xf32, #tpu.memory_space<vmem>>, vector<1x16xf32>,
        %get3A_254 = vector.shape_cast %get3A_253 : vector<1x16xf32> to vector<16xf32>
        %add3A_255 = arith.addf %add3A_227, %get3A_254 : vector<16xf32>
        %add3A_256 = arith.constant 6 : i32
        %add3A_257 = arith.addi %mul3A_100, %add3A_256 : i32
        %get3A_258 = arith.index_cast %add3A_257 : i32 to index
        %get3A_259 = arith.constant 0 : index
        %get3A_260 = tpu.vector_load %arg9[%get3A_258, %get3A_259] {strides = array<i32>} : memref<320x128xf32, #tpu.memory_space<vmem>>, vector<1x16xf32>,
        %get3A_261 = vector.shape_cast %get3A_260 : vector<1x16xf32> to vector<16xf32>
        %add3A_262 = arith.addf %add3A_234, %get3A_261 : vector<16xf32>
        %add3A_263 = arith.constant 6 : i32
        %add3A_264 = arith.addi %mul3A_100, %add3A_263 : i32
        %get3A_265 = arith.index_cast %add3A_264 : i32 to index
        %get3A_266 = arith.constant 16 : index
        %get3A_267 = tpu.vector_load %arg9[%get3A_265, %get3A_266] {strides = array<i32>} : memref<320x128xf32, #tpu.memory_space<vmem>>, vector<1x16xf32>,
        %get3A_268 = vector.shape_cast %get3A_267 : vector<1x16xf32> to vector<16xf32>
        %add3A_269 = arith.addf %add3A_241, %get3A_268 : vector<16xf32>
        %add3A_270 = arith.constant 6 : i32
        %add3A_271 = arith.addi %mul3A_100, %add3A_270 : i32
        %get3A_272 = arith.index_cast %add3A_271 : i32 to index
        %get3A_273 = arith.constant 32 : index
        %get3A_274 = tpu.vector_load %arg9[%get3A_272, %get3A_273] {strides = array<i32>} : memref<320x128xf32, #tpu.memory_space<vmem>>, vector<1x16xf32>,
        %get3A_275 = vector.shape_cast %get3A_274 : vector<1x16xf32> to vector<16xf32>
        %add3A_276 = arith.addf %add3A_248, %get3A_275 : vector<16xf32>
        %add3A_277 = arith.constant 6 : i32
        %add3A_278 = arith.addi %mul3A_100, %add3A_277 : i32
        %get3A_279 = arith.index_cast %add3A_278 : i32 to index
        %get3A_280 = arith.constant 48 : index
        %get3A_281 = tpu.vector_load %arg9[%get3A_279, %get3A_280] {strides = array<i32>} : memref<320x128xf32, #tpu.memory_space<vmem>>, vector<1x16xf32>,
        %get3A_282 = vector.shape_cast %get3A_281 : vector<1x16xf32> to vector<16xf32>
        %add3A_283 = arith.addf %add3A_255, %get3A_282 : vector<16xf32>
        %add3A_284 = arith.constant 7 : i32
        %add3A_285 = arith.addi %mul3A_100, %add3A_284 : i32
        %get3A_286 = arith.index_cast %add3A_285 : i32 to index
        %get3A_287 = arith.constant 0 : index
        %get3A_288 = tpu.vector_load %arg9[%get3A_286, %get3A_287] {strides = array<i32>} : memref<320x128xf32, #tpu.memory_space<vmem>>, vector<1x16xf32>,
        %get3A_289 = vector.shape_cast %get3A_288 : vector<1x16xf32> to vector<16xf32>
        %add3A_290 = arith.addf %add3A_262, %get3A_289 : vector<16xf32>
        %add3A_291 = arith.constant 7 : i32
        %add3A_292 = arith.addi %mul3A_100, %add3A_291 : i32
        %get3A_293 = arith.index_cast %add3A_292 : i32 to index
        %get3A_294 = arith.constant 16 : index
        %get3A_295 = tpu.vector_load %arg9[%get3A_293, %get3A_294] {strides = array<i32>} : memref<320x128xf32, #tpu.memory_space<vmem>>, vector<1x16xf32>,
        %get3A_296 = vector.shape_cast %get3A_295 : vector<1x16xf32> to vector<16xf32>
        %add3A_297 = arith.addf %add3A_269, %get3A_296 : vector<16xf32>
        %add3A_298 = arith.constant 7 : i32
        %add3A_299 = arith.addi %mul3A_100, %add3A_298 : i32
        %get3A_300 = arith.index_cast %add3A_299 : i32 to index
        %get3A_301 = arith.constant 32 : index
        %get3A_302 = tpu.vector_load %arg9[%get3A_300, %get3A_301] {strides = array<i32>} : memref<320x128xf32, #tpu.memory_space<vmem>>, vector<1x16xf32>,
        %get3A_303 = vector.shape_cast %get3A_302 : vector<1x16xf32> to vector<16xf32>
        %add3A_304 = arith.addf %add3A_276, %get3A_303 : vector<16xf32>
        %add3A_305 = arith.constant 7 : i32
        %add3A_306 = arith.addi %mul3A_100, %add3A_305 : i32
        %get3A_307 = arith.index_cast %add3A_306 : i32 to index
        %get3A_308 = arith.constant 48 : index
        %get3A_309 = tpu.vector_load %arg9[%get3A_307, %get3A_308] {strides = array<i32>} : memref<320x128xf32, #tpu.memory_space<vmem>>, vector<1x16xf32>,
        %get3A_310 = vector.shape_cast %get3A_309 : vector<1x16xf32> to vector<16xf32>
        %add3A_311 = arith.addf %add3A_283, %get3A_310 : vector<16xf32>
        %add3A_312 = arith.constant 8 : i32
        %add3A_313 = arith.addi %mul3A_100, %add3A_312 : i32
        %get3A_314 = arith.index_cast %add3A_313 : i32 to index
        %get3A_315 = arith.constant 0 : index
        %get3A_316 = tpu.vector_load %arg9[%get3A_314, %get3A_315] {strides = array<i32>} : memref<320x128xf32, #tpu.memory_space<vmem>>, vector<1x16xf32>,
        %get3A_317 = vector.shape_cast %get3A_316 : vector<1x16xf32> to vector<16xf32>
        %add3A_318 = arith.addf %add3A_290, %get3A_317 : vector<16xf32>
        %add3A_319 = arith.constant 8 : i32
        %add3A_320 = arith.addi %mul3A_100, %add3A_319 : i32
        %get3A_321 = arith.index_cast %add3A_320 : i32 to index
        %get3A_322 = arith.constant 16 : index
        %get3A_323 = tpu.vector_load %arg9[%get3A_321, %get3A_322] {strides = array<i32>} : memref<320x128xf32, #tpu.memory_space<vmem>>, vector<1x16xf32>,
        %get3A_324 = vector.shape_cast %get3A_323 : vector<1x16xf32> to vector<16xf32>
        %add3A_325 = arith.addf %add3A_297, %get3A_324 : vector<16xf32>
        %add3A_326 = arith.constant 8 : i32
        %add3A_327 = arith.addi %mul3A_100, %add3A_326 : i32
        %get3A_328 = arith.index_cast %add3A_327 : i32 to index
        %get3A_329 = arith.constant 32 : index
        %get3A_330 = tpu.vector_load %arg9[%get3A_328, %get3A_329] {strides = array<i32>} : memref<320x128xf32, #tpu.memory_space<vmem>>, vector<1x16xf32>,
        %get3A_331 = vector.shape_cast %get3A_330 : vector<1x16xf32> to vector<16xf32>
        %add3A_332 = arith.addf %add3A_304, %get3A_331 : vector<16xf32>
        %add3A_333 = arith.constant 8 : i32
        %add3A_334 = arith.addi %mul3A_100, %add3A_333 : i32
        %get3A_335 = arith.index_cast %add3A_334 : i32 to index
        %get3A_336 = arith.constant 48 : index
        %get3A_337 = tpu.vector_load %arg9[%get3A_335, %get3A_336] {strides = array<i32>} : memref<320x128xf32, #tpu.memory_space<vmem>>, vector<1x16xf32>,
        %get3A_338 = vector.shape_cast %get3A_337 : vector<1x16xf32> to vector<16xf32>
        %add3A_339 = arith.addf %add3A_311, %get3A_338 : vector<16xf32>
        %add3A_340 = arith.constant 9 : i32
        %add3A_341 = arith.addi %mul3A_100, %add3A_340 : i32
        %get3A_342 = arith.index_cast %add3A_341 : i32 to index
        %get3A_343 = arith.constant 0 : index
        %get3A_344 = tpu.vector_load %arg9[%get3A_342, %get3A_343] {strides = array<i32>} : memref<320x128xf32, #tpu.memory_space<vmem>>, vector<1x16xf32>,
        %get3A_345 = vector.shape_cast %get3A_344 : vector<1x16xf32> to vector<16xf32>
        %add3A_346 = arith.addf %add3A_318, %get3A_345 : vector<16xf32>
        %add3A_347 = arith.constant 9 : i32
        %add3A_348 = arith.addi %mul3A_100, %add3A_347 : i32
        %get3A_349 = arith.index_cast %add3A_348 : i32 to index
        %get3A_350 = arith.constant 16 : index
        %get3A_351 = tpu.vector_load %arg9[%get3A_349, %get3A_350] {strides = array<i32>} : memref<320x128xf32, #tpu.memory_space<vmem>>, vector<1x16xf32>,
        %get3A_352 = vector.shape_cast %get3A_351 : vector<1x16xf32> to vector<16xf32>
        %add3A_353 = arith.addf %add3A_325, %get3A_352 : vector<16xf32>
        %add3A_354 = arith.constant 9 : i32
        %add3A_355 = arith.addi %mul3A_100, %add3A_354 : i32
        %get3A_356 = arith.index_cast %add3A_355 : i32 to index
        %get3A_357 = arith.constant 32 : index
        %get3A_358 = tpu.vector_load %arg9[%get3A_356, %get3A_357] {strides = array<i32>} : memref<320x128xf32, #tpu.memory_space<vmem>>, vector<1x16xf32>,
        %get3A_359 = vector.shape_cast %get3A_358 : vector<1x16xf32> to vector<16xf32>
        %add3A_360 = arith.addf %add3A_332, %get3A_359 : vector<16xf32>
        %add3A_361 = arith.constant 9 : i32
        %add3A_362 = arith.addi %mul3A_100, %add3A_361 : i32
        %get3A_363 = arith.index_cast %add3A_362 : i32 to index
        %get3A_364 = arith.constant 48 : index
        %get3A_365 = tpu.vector_load %arg9[%get3A_363, %get3A_364] {strides = array<i32>} : memref<320x128xf32, #tpu.memory_space<vmem>>, vector<1x16xf32>,
        %get3A_366 = vector.shape_cast %get3A_365 : vector<1x16xf32> to vector<16xf32>
        %add3A_367 = arith.addf %add3A_339, %get3A_366 : vector<16xf32>
        %add3A_368 = arith.constant 10 : i32
        %add3A_369 = arith.addi %mul3A_100, %add3A_368 : i32
        %get3A_370 = arith.index_cast %add3A_369 : i32 to index
        %get3A_371 = arith.constant 0 : index
        %get3A_372 = tpu.vector_load %arg9[%get3A_370, %get3A_371] {strides = array<i32>} : memref<320x128xf32, #tpu.memory_space<vmem>>, vector<1x16xf32>,
        %get3A_373 = vector.shape_cast %get3A_372 : vector<1x16xf32> to vector<16xf32>
        %add3A_374 = arith.addf %add3A_346, %get3A_373 : vector<16xf32>
        %add3A_375 = arith.constant 10 : i32
        %add3A_376 = arith.addi %mul3A_100, %add3A_375 : i32
        %get3A_377 = arith.index_cast %add3A_376 : i32 to index
        %get3A_378 = arith.constant 16 : index
        %get3A_379 = tpu.vector_load %arg9[%get3A_377, %get3A_378] {strides = array<i32>} : memref<320x128xf32, #tpu.memory_space<vmem>>, vector<1x16xf32>,
        %get3A_380 = vector.shape_cast %get3A_379 : vector<1x16xf32> to vector<16xf32>
        %add3A_381 = arith.addf %add3A_353, %get3A_380 : vector<16xf32>
        %add3A_382 = arith.constant 10 : i32
        %add3A_383 = arith.addi %mul3A_100, %add3A_382 : i32
        %get3A_384 = arith.index_cast %add3A_383 : i32 to index
        %get3A_385 = arith.constant 32 : index
        %get3A_386 = tpu.vector_load %arg9[%get3A_384, %get3A_385] {strides = array<i32>} : memref<320x128xf32, #tpu.memory_space<vmem>>, vector<1x16xf32>,
        %get3A_387 = vector.shape_cast %get3A_386 : vector<1x16xf32> to vector<16xf32>
        %add3A_388 = arith.addf %add3A_360, %get3A_387 : vector<16xf32>
        %add3A_389 = arith.constant 10 : i32
        %add3A_390 = arith.addi %mul3A_100, %add3A_389 : i32
        %get3A_391 = arith.index_cast %add3A_390 : i32 to index
        %get3A_392 = arith.constant 48 : index
        %get3A_393 = tpu.vector_load %arg9[%get3A_391, %get3A_392] {strides = array<i32>} : memref<320x128xf32, #tpu.memory_space<vmem>>, vector<1x16xf32>,
        %get3A_394 = vector.shape_cast %get3A_393 : vector<1x16xf32> to vector<16xf32>
        %add3A_395 = arith.addf %add3A_367, %get3A_394 : vector<16xf32>
        %add3A_396 = arith.constant 11 : i32
        %add3A_397 = arith.addi %mul3A_100, %add3A_396 : i32
        %get3A_398 = arith.index_cast %add3A_397 : i32 to index
        %get3A_399 = arith.constant 0 : index
        %get3A_400 = tpu.vector_load %arg9[%get3A_398, %get3A_399] {strides = array<i32>} : memref<320x128xf32, #tpu.memory_space<vmem>>, vector<1x16xf32>,
        %get3A_401 = vector.shape_cast %get3A_400 : vector<1x16xf32> to vector<16xf32>
        %add3A_402 = arith.addf %add3A_374, %get3A_401 : vector<16xf32>
        %add3A_403 = arith.constant 11 : i32
        %add3A_404 = arith.addi %mul3A_100, %add3A_403 : i32
        %get3A_405 = arith.index_cast %add3A_404 : i32 to index
        %get3A_406 = arith.constant 16 : index
        %get3A_407 = tpu.vector_load %arg9[%get3A_405, %get3A_406] {strides = array<i32>} : memref<320x128xf32, #tpu.memory_space<vmem>>, vector<1x16xf32>,
        %get3A_408 = vector.shape_cast %get3A_407 : vector<1x16xf32> to vector<16xf32>
        %add3A_409 = arith.addf %add3A_381, %get3A_408 : vector<16xf32>
        %add3A_410 = arith.constant 11 : i32
        %add3A_411 = arith.addi %mul3A_100, %add3A_410 : i32
        %get3A_412 = arith.index_cast %add3A_411 : i32 to index
        %get3A_413 = arith.constant 32 : index
        %get3A_414 = tpu.vector_load %arg9[%get3A_412, %get3A_413] {strides = array<i32>} : memref<320x128xf32, #tpu.memory_space<vmem>>, vector<1x16xf32>,
        %get3A_415 = vector.shape_cast %get3A_414 : vector<1x16xf32> to vector<16xf32>
        %add3A_416 = arith.addf %add3A_388, %get3A_415 : vector<16xf32>
        %add3A_417 = arith.constant 11 : i32
        %add3A_418 = arith.addi %mul3A_100, %add3A_417 : i32
        %get3A_419 = arith.index_cast %add3A_418 : i32 to index
        %get3A_420 = arith.constant 48 : index
        %get3A_421 = tpu.vector_load %arg9[%get3A_419, %get3A_420] {strides = array<i32>} : memref<320x128xf32, #tpu.memory_space<vmem>>, vector<1x16xf32>,
        %get3A_422 = vector.shape_cast %get3A_421 : vector<1x16xf32> to vector<16xf32>
        %add3A_423 = arith.addf %add3A_395, %get3A_422 : vector<16xf32>
        %add3A_424 = arith.constant 12 : i32
        %add3A_425 = arith.addi %mul3A_100, %add3A_424 : i32
        %get3A_426 = arith.index_cast %add3A_425 : i32 to index
        %get3A_427 = arith.constant 0 : index
        %get3A_428 = tpu.vector_load %arg9[%get3A_426, %get3A_427] {strides = array<i32>} : memref<320x128xf32, #tpu.memory_space<vmem>>, vector<1x16xf32>,
        %get3A_429 = vector.shape_cast %get3A_428 : vector<1x16xf32> to vector<16xf32>
        %add3A_430 = arith.addf %add3A_402, %get3A_429 : vector<16xf32>
        %add3A_431 = arith.constant 12 : i32
        %add3A_432 = arith.addi %mul3A_100, %add3A_431 : i32
        %get3A_433 = arith.index_cast %add3A_432 : i32 to index
        %get3A_434 = arith.constant 16 : index
        %get3A_435 = tpu.vector_load %arg9[%get3A_433, %get3A_434] {strides = array<i32>} : memref<320x128xf32, #tpu.memory_space<vmem>>, vector<1x16xf32>,
        %get3A_436 = vector.shape_cast %get3A_435 : vector<1x16xf32> to vector<16xf32>
        %add3A_437 = arith.addf %add3A_409, %get3A_436 : vector<16xf32>
        %add3A_438 = arith.constant 12 : i32
        %add3A_439 = arith.addi %mul3A_100, %add3A_438 : i32
        %get3A_440 = arith.index_cast %add3A_439 : i32 to index
        %get3A_441 = arith.constant 32 : index
        %get3A_442 = tpu.vector_load %arg9[%get3A_440, %get3A_441] {strides = array<i32>} : memref<320x128xf32, #tpu.memory_space<vmem>>, vector<1x16xf32>,
        %get3A_443 = vector.shape_cast %get3A_442 : vector<1x16xf32> to vector<16xf32>
        %add3A_444 = arith.addf %add3A_416, %get3A_443 : vector<16xf32>
        %add3A_445 = arith.constant 12 : i32
        %add3A_446 = arith.addi %mul3A_100, %add3A_445 : i32
        %get3A_447 = arith.index_cast %add3A_446 : i32 to index
        %get3A_448 = arith.constant 48 : index
        %get3A_449 = tpu.vector_load %arg9[%get3A_447, %get3A_448] {strides = array<i32>} : memref<320x128xf32, #tpu.memory_space<vmem>>, vector<1x16xf32>,
        %get3A_450 = vector.shape_cast %get3A_449 : vector<1x16xf32> to vector<16xf32>
        %add3A_451 = arith.addf %add3A_423, %get3A_450 : vector<16xf32>
        %add3A_452 = arith.constant 13 : i32
        %add3A_453 = arith.addi %mul3A_100, %add3A_452 : i32
        %get3A_454 = arith.index_cast %add3A_453 : i32 to index
        %get3A_455 = arith.constant 0 : index
        %get3A_456 = tpu.vector_load %arg9[%get3A_454, %get3A_455] {strides = array<i32>} : memref<320x128xf32, #tpu.memory_space<vmem>>, vector<1x16xf32>,
        %get3A_457 = vector.shape_cast %get3A_456 : vector<1x16xf32> to vector<16xf32>
        %add3A_458 = arith.addf %add3A_430, %get3A_457 : vector<16xf32>
        %add3A_459 = arith.constant 13 : i32
        %add3A_460 = arith.addi %mul3A_100, %add3A_459 : i32
        %get3A_461 = arith.index_cast %add3A_460 : i32 to index
        %get3A_462 = arith.constant 16 : index
        %get3A_463 = tpu.vector_load %arg9[%get3A_461, %get3A_462] {strides = array<i32>} : memref<320x128xf32, #tpu.memory_space<vmem>>, vector<1x16xf32>,
        %get3A_464 = vector.shape_cast %get3A_463 : vector<1x16xf32> to vector<16xf32>
        %add3A_465 = arith.addf %add3A_437, %get3A_464 : vector<16xf32>
        %add3A_466 = arith.constant 13 : i32
        %add3A_467 = arith.addi %mul3A_100, %add3A_466 : i32
        %get3A_468 = arith.index_cast %add3A_467 : i32 to index
        %get3A_469 = arith.constant 32 : index
        %get3A_470 = tpu.vector_load %arg9[%get3A_468, %get3A_469] {strides = array<i32>} : memref<320x128xf32, #tpu.memory_space<vmem>>, vector<1x16xf32>,
        %get3A_471 = vector.shape_cast %get3A_470 : vector<1x16xf32> to vector<16xf32>
        %add3A_472 = arith.addf %add3A_444, %get3A_471 : vector<16xf32>
        %add3A_473 = arith.constant 13 : i32
        %add3A_474 = arith.addi %mul3A_100, %add3A_473 : i32
        %get3A_475 = arith.index_cast %add3A_474 : i32 to index
        %get3A_476 = arith.constant 48 : index
        %get3A_477 = tpu.vector_load %arg9[%get3A_475, %get3A_476] {strides = array<i32>} : memref<320x128xf32, #tpu.memory_space<vmem>>, vector<1x16xf32>,
        %get3A_478 = vector.shape_cast %get3A_477 : vector<1x16xf32> to vector<16xf32>
        %add3A_479 = arith.addf %add3A_451, %get3A_478 : vector<16xf32>
        %add3A_480 = arith.constant 14 : i32
        %add3A_481 = arith.addi %mul3A_100, %add3A_480 : i32
        %get3A_482 = arith.index_cast %add3A_481 : i32 to index
        %get3A_483 = arith.constant 0 : index
        %get3A_484 = tpu.vector_load %arg9[%get3A_482, %get3A_483] {strides = array<i32>} : memref<320x128xf32, #tpu.memory_space<vmem>>, vector<1x16xf32>,
        %get3A_485 = vector.shape_cast %get3A_484 : vector<1x16xf32> to vector<16xf32>
        %add3A_486 = arith.addf %add3A_458, %get3A_485 : vector<16xf32>
        %add3A_487 = arith.constant 14 : i32
        %add3A_488 = arith.addi %mul3A_100, %add3A_487 : i32
        %get3A_489 = arith.index_cast %add3A_488 : i32 to index
        %get3A_490 = arith.constant 16 : index
        %get3A_491 = tpu.vector_load %arg9[%get3A_489, %get3A_490] {strides = array<i32>} : memref<320x128xf32, #tpu.memory_space<vmem>>, vector<1x16xf32>,
        %get3A_492 = vector.shape_cast %get3A_491 : vector<1x16xf32> to vector<16xf32>
        %add3A_493 = arith.addf %add3A_465, %get3A_492 : vector<16xf32>
        %add3A_494 = arith.constant 14 : i32
        %add3A_495 = arith.addi %mul3A_100, %add3A_494 : i32
        %get3A_496 = arith.index_cast %add3A_495 : i32 to index
        %get3A_497 = arith.constant 32 : index
        %get3A_498 = tpu.vector_load %arg9[%get3A_496, %get3A_497] {strides = array<i32>} : memref<320x128xf32, #tpu.memory_space<vmem>>, vector<1x16xf32>,
        %get3A_499 = vector.shape_cast %get3A_498 : vector<1x16xf32> to vector<16xf32>
        %add3A_500 = arith.addf %add3A_472, %get3A_499 : vector<16xf32>
        %add3A_501 = arith.constant 14 : i32
        %add3A_502 = arith.addi %mul3A_100, %add3A_501 : i32
        %get3A_503 = arith.index_cast %add3A_502 : i32 to index
        %get3A_504 = arith.constant 48 : index
        %get3A_505 = tpu.vector_load %arg9[%get3A_503, %get3A_504] {strides = array<i32>} : memref<320x128xf32, #tpu.memory_space<vmem>>, vector<1x16xf32>,
        %get3A_506 = vector.shape_cast %get3A_505 : vector<1x16xf32> to vector<16xf32>
        %add3A_507 = arith.addf %add3A_479, %get3A_506 : vector<16xf32>
        %add3A_508 = arith.constant 15 : i32
        %add3A_509 = arith.addi %mul3A_100, %add3A_508 : i32
        %get3A_510 = arith.index_cast %add3A_509 : i32 to index
        %get3A_511 = arith.constant 0 : index
        %get3A_512 = tpu.vector_load %arg9[%get3A_510, %get3A_511] {strides = array<i32>} : memref<320x128xf32, #tpu.memory_space<vmem>>, vector<1x16xf32>,
        %get3A_513 = vector.shape_cast %get3A_512 : vector<1x16xf32> to vector<16xf32>
        %add3A_514 = arith.addf %add3A_486, %get3A_513 : vector<16xf32>
        %add3A_515 = arith.constant 15 : i32
        %add3A_516 = arith.addi %mul3A_100, %add3A_515 : i32
        %get3A_517 = arith.index_cast %add3A_516 : i32 to index
        %get3A_518 = arith.constant 16 : index
        %get3A_519 = tpu.vector_load %arg9[%get3A_517, %get3A_518] {strides = array<i32>} : memref<320x128xf32, #tpu.memory_space<vmem>>, vector<1x16xf32>,
        %get3A_520 = vector.shape_cast %get3A_519 : vector<1x16xf32> to vector<16xf32>
        %add3A_521 = arith.addf %add3A_493, %get3A_520 : vector<16xf32>
        %add3A_522 = arith.constant 15 : i32
        %add3A_523 = arith.addi %mul3A_100, %add3A_522 : i32
        %get3A_524 = arith.index_cast %add3A_523 : i32 to index
        %get3A_525 = arith.constant 32 : index
        %get3A_526 = tpu.vector_load %arg9[%get3A_524, %get3A_525] {strides = array<i32>} : memref<320x128xf32, #tpu.memory_space<vmem>>, vector<1x16xf32>,
        %get3A_527 = vector.shape_cast %get3A_526 : vector<1x16xf32> to vector<16xf32>
        %add3A_528 = arith.addf %add3A_500, %get3A_527 : vector<16xf32>
        %add3A_529 = arith.constant 15 : i32
        %add3A_530 = arith.addi %mul3A_100, %add3A_529 : i32
        %get3A_531 = arith.index_cast %add3A_530 : i32 to index
        %get3A_532 = arith.constant 48 : index
        %get3A_533 = tpu.vector_load %arg9[%get3A_531, %get3A_532] {strides = array<i32>} : memref<320x128xf32, #tpu.memory_space<vmem>>, vector<1x16xf32>,
        %get3A_534 = vector.shape_cast %get3A_533 : vector<1x16xf32> to vector<16xf32>
        %add3A_535 = arith.addf %add3A_507, %get3A_534 : vector<16xf32>
        %add3A_536 = arith.constant 16 : i32
        %add3A_537 = arith.addi %mul3A_100, %add3A_536 : i32
        %get3A_538 = arith.index_cast %add3A_537 : i32 to index
        %get3A_539 = arith.constant 0 : index
        %get3A_540 = tpu.vector_load %arg9[%get3A_538, %get3A_539] {strides = array<i32>} : memref<320x128xf32, #tpu.memory_space<vmem>>, vector<1x16xf32>,
        %get3A_541 = vector.shape_cast %get3A_540 : vector<1x16xf32> to vector<16xf32>
        %add3A_542 = arith.addf %add3A_514, %get3A_541 : vector<16xf32>
        %add3A_543 = arith.constant 16 : i32
        %add3A_544 = arith.addi %mul3A_100, %add3A_543 : i32
        %get3A_545 = arith.index_cast %add3A_544 : i32 to index
        %get3A_546 = arith.constant 16 : index
        %get3A_547 = tpu.vector_load %arg9[%get3A_545, %get3A_546] {strides = array<i32>} : memref<320x128xf32, #tpu.memory_space<vmem>>, vector<1x16xf32>,
        %get3A_548 = vector.shape_cast %get3A_547 : vector<1x16xf32> to vector<16xf32>
        %add3A_549 = arith.addf %add3A_521, %get3A_548 : vector<16xf32>
        %add3A_550 = arith.constant 16 : i32
        %add3A_551 = arith.addi %mul3A_100, %add3A_550 : i32
        %get3A_552 = arith.index_cast %add3A_551 : i32 to index
        %get3A_553 = arith.constant 32 : index
        %get3A_554 = tpu.vector_load %arg9[%get3A_552, %get3A_553] {strides = array<i32>} : memref<320x128xf32, #tpu.memory_space<vmem>>, vector<1x16xf32>,
        %get3A_555 = vector.shape_cast %get3A_554 : vector<1x16xf32> to vector<16xf32>
        %add3A_556 = arith.addf %add3A_528, %get3A_555 : vector<16xf32>
        %add3A_557 = arith.constant 16 : i32
        %add3A_558 = arith.addi %mul3A_100, %add3A_557 : i32
        %get3A_559 = arith.index_cast %add3A_558 : i32 to index
        %get3A_560 = arith.constant 48 : index
        %get3A_561 = tpu.vector_load %arg9[%get3A_559, %get3A_560] {strides = array<i32>} : memref<320x128xf32, #tpu.memory_space<vmem>>, vector<1x16xf32>,
        %get3A_562 = vector.shape_cast %get3A_561 : vector<1x16xf32> to vector<16xf32>
        %add3A_563 = arith.addf %add3A_535, %get3A_562 : vector<16xf32>
        %add3A_564 = arith.constant 17 : i32
        %add3A_565 = arith.addi %mul3A_100, %add3A_564 : i32
        %get3A_566 = arith.index_cast %add3A_565 : i32 to index
        %get3A_567 = arith.constant 0 : index
        %get3A_568 = tpu.vector_load %arg9[%get3A_566, %get3A_567] {strides = array<i32>} : memref<320x128xf32, #tpu.memory_space<vmem>>, vector<1x16xf32>,
        %get3A_569 = vector.shape_cast %get3A_568 : vector<1x16xf32> to vector<16xf32>
        %add3A_570 = arith.addf %add3A_542, %get3A_569 : vector<16xf32>
        %add3A_571 = arith.constant 17 : i32
        %add3A_572 = arith.addi %mul3A_100, %add3A_571 : i32
        %get3A_573 = arith.index_cast %add3A_572 : i32 to index
        %get3A_574 = arith.constant 16 : index
        %get3A_575 = tpu.vector_load %arg9[%get3A_573, %get3A_574] {strides = array<i32>} : memref<320x128xf32, #tpu.memory_space<vmem>>, vector<1x16xf32>,
        %get3A_576 = vector.shape_cast %get3A_575 : vector<1x16xf32> to vector<16xf32>
        %add3A_577 = arith.addf %add3A_549, %get3A_576 : vector<16xf32>
        %add3A_578 = arith.constant 17 : i32
        %add3A_579 = arith.addi %mul3A_100, %add3A_578 : i32
        %get3A_580 = arith.index_cast %add3A_579 : i32 to index
        %get3A_581 = arith.constant 32 : index
        %get3A_582 = tpu.vector_load %arg9[%get3A_580, %get3A_581] {strides = array<i32>} : memref<320x128xf32, #tpu.memory_space<vmem>>, vector<1x16xf32>,
        %get3A_583 = vector.shape_cast %get3A_582 : vector<1x16xf32> to vector<16xf32>
        %add3A_584 = arith.addf %add3A_556, %get3A_583 : vector<16xf32>
        %add3A_585 = arith.constant 17 : i32
        %add3A_586 = arith.addi %mul3A_100, %add3A_585 : i32
        %get3A_587 = arith.index_cast %add3A_586 : i32 to index
        %get3A_588 = arith.constant 48 : index
        %get3A_589 = tpu.vector_load %arg9[%get3A_587, %get3A_588] {strides = array<i32>} : memref<320x128xf32, #tpu.memory_space<vmem>>, vector<1x16xf32>,
        %get3A_590 = vector.shape_cast %get3A_589 : vector<1x16xf32> to vector<16xf32>
        %add3A_591 = arith.addf %add3A_563, %get3A_590 : vector<16xf32>
        %add3A_592 = arith.constant 18 : i32
        %add3A_593 = arith.addi %mul3A_100, %add3A_592 : i32
        %get3A_594 = arith.index_cast %add3A_593 : i32 to index
        %get3A_595 = arith.constant 0 : index
        %get3A_596 = tpu.vector_load %arg9[%get3A_594, %get3A_595] {strides = array<i32>} : memref<320x128xf32, #tpu.memory_space<vmem>>, vector<1x16xf32>,
        %get3A_597 = vector.shape_cast %get3A_596 : vector<1x16xf32> to vector<16xf32>
        %add3A_598 = arith.addf %add3A_570, %get3A_597 : vector<16xf32>
        %add3A_599 = arith.constant 18 : i32
        %add3A_600 = arith.addi %mul3A_100, %add3A_599 : i32
        %get3A_601 = arith.index_cast %add3A_600 : i32 to index
        %get3A_602 = arith.constant 16 : index
        %get3A_603 = tpu.vector_load %arg9[%get3A_601, %get3A_602] {strides = array<i32>} : memref<320x128xf32, #tpu.memory_space<vmem>>, vector<1x16xf32>,
        %get3A_604 = vector.shape_cast %get3A_603 : vector<1x16xf32> to vector<16xf32>
        %add3A_605 = arith.addf %add3A_577, %get3A_604 : vector<16xf32>
        %add3A_606 = arith.constant 18 : i32
        %add3A_607 = arith.addi %mul3A_100, %add3A_606 : i32
        %get3A_608 = arith.index_cast %add3A_607 : i32 to index
        %get3A_609 = arith.constant 32 : index
        %get3A_610 = tpu.vector_load %arg9[%get3A_608, %get3A_609] {strides = array<i32>} : memref<320x128xf32, #tpu.memory_space<vmem>>, vector<1x16xf32>,
        %get3A_611 = vector.shape_cast %get3A_610 : vector<1x16xf32> to vector<16xf32>
        %add3A_612 = arith.addf %add3A_584, %get3A_611 : vector<16xf32>
        %add3A_613 = arith.constant 18 : i32
        %add3A_614 = arith.addi %mul3A_100, %add3A_613 : i32
        %get3A_615 = arith.index_cast %add3A_614 : i32 to index
        %get3A_616 = arith.constant 48 : index
        %get3A_617 = tpu.vector_load %arg9[%get3A_615, %get3A_616] {strides = array<i32>} : memref<320x128xf32, #tpu.memory_space<vmem>>, vector<1x16xf32>,
        %get3A_618 = vector.shape_cast %get3A_617 : vector<1x16xf32> to vector<16xf32>
        %add3A_619 = arith.addf %add3A_591, %get3A_618 : vector<16xf32>
        %add3A_620 = arith.constant 19 : i32
        %add3A_621 = arith.addi %mul3A_100, %add3A_620 : i32
        %get3A_622 = arith.index_cast %add3A_621 : i32 to index
        %get3A_623 = arith.constant 0 : index
        %get3A_624 = tpu.vector_load %arg9[%get3A_622, %get3A_623] {strides = array<i32>} : memref<320x128xf32, #tpu.memory_space<vmem>>, vector<1x16xf32>,
        %get3A_625 = vector.shape_cast %get3A_624 : vector<1x16xf32> to vector<16xf32>
        %add3A_626 = arith.addf %add3A_598, %get3A_625 : vector<16xf32>
        %add3A_627 = arith.constant 19 : i32
        %add3A_628 = arith.addi %mul3A_100, %add3A_627 : i32
        %get3A_629 = arith.index_cast %add3A_628 : i32 to index
        %get3A_630 = arith.constant 16 : index
        %get3A_631 = tpu.vector_load %arg9[%get3A_629, %get3A_630] {strides = array<i32>} : memref<320x128xf32, #tpu.memory_space<vmem>>, vector<1x16xf32>,
        %get3A_632 = vector.shape_cast %get3A_631 : vector<1x16xf32> to vector<16xf32>
        %add3A_633 = arith.addf %add3A_605, %get3A_632 : vector<16xf32>
        %add3A_634 = arith.constant 19 : i32
        %add3A_635 = arith.addi %mul3A_100, %add3A_634 : i32
        %get3A_636 = arith.index_cast %add3A_635 : i32 to index
        %get3A_637 = arith.constant 32 : index
        %get3A_638 = tpu.vector_load %arg9[%get3A_636, %get3A_637] {strides = array<i32>} : memref<320x128xf32, #tpu.memory_space<vmem>>, vector<1x16xf32>,
        %get3A_639 = vector.shape_cast %get3A_638 : vector<1x16xf32> to vector<16xf32>
        %add3A_640 = arith.addf %add3A_612, %get3A_639 : vector<16xf32>
        %add3A_641 = arith.constant 19 : i32
        %add3A_642 = arith.addi %mul3A_100, %add3A_641 : i32
        %get3A_643 = arith.index_cast %add3A_642 : i32 to index
        %get3A_644 = arith.constant 48 : index
        %get3A_645 = tpu.vector_load %arg9[%get3A_643, %get3A_644] {strides = array<i32>} : memref<320x128xf32, #tpu.memory_space<vmem>>, vector<1x16xf32>,
        %get3A_646 = vector.shape_cast %get3A_645 : vector<1x16xf32> to vector<16xf32>
        %add3A_647 = arith.addf %add3A_619, %get3A_646 : vector<16xf32>
        %swap3A = arith.index_cast %scan3A_97 : i32 to index
        %swap3A_648 = arith.constant 0 : index
        %swap3A_649 = tpu.vector_load %arg11[%swap3A, %swap3A_648] {strides = array<i32>} : memref<16x128xf32, #tpu.memory_space<vmem>>, vector<1x16xf32>,
        %swap3A_650 = vector.shape_cast %swap3A_649 : vector<1x16xf32> to vector<16xf32>
        %swap3A_651 = vector.shape_cast %add3A_626 : vector<16xf32> to vector<1x16xf32>
        tpu.vector_store %arg11[%swap3A, %swap3A_648], %swap3A_651 {strides = array<i32>} : memref<16x128xf32, #tpu.memory_space<vmem>>, vector<1x16xf32>,
        %swap3A_652 = arith.index_cast %scan3A_97 : i32 to index
        %swap3A_653 = arith.constant 16 : index
        %swap3A_654 = tpu.vector_load %arg11[%swap3A_652, %swap3A_653] {strides = array<i32>} : memref<16x128xf32, #tpu.memory_space<vmem>>, vector<1x16xf32>,
        %swap3A_655 = vector.shape_cast %swap3A_654 : vector<1x16xf32> to vector<16xf32>
        %swap3A_656 = vector.shape_cast %add3A_633 : vector<16xf32> to vector<1x16xf32>
        tpu.vector_store %arg11[%swap3A_652, %swap3A_653], %swap3A_656 {strides = array<i32>} : memref<16x128xf32, #tpu.memory_space<vmem>>, vector<1x16xf32>,
        %swap3A_657 = arith.index_cast %scan3A_97 : i32 to index
        %swap3A_658 = arith.constant 32 : index
        %swap3A_659 = tpu.vector_load %arg11[%swap3A_657, %swap3A_658] {strides = array<i32>} : memref<16x128xf32, #tpu.memory_space<vmem>>, vector<1x16xf32>,
        %swap3A_660 = vector.shape_cast %swap3A_659 : vector<1x16xf32> to vector<16xf32>
        %swap3A_661 = vector.shape_cast %add3A_640 : vector<16xf32> to vector<1x16xf32>
        tpu.vector_store %arg11[%swap3A_657, %swap3A_658], %swap3A_661 {strides = array<i32>} : memref<16x128xf32, #tpu.memory_space<vmem>>, vector<1x16xf32>,
        %swap3A_662 = arith.index_cast %scan3A_97 : i32 to index
        %swap3A_663 = arith.constant 48 : index
        %swap3A_664 = tpu.vector_load %arg11[%swap3A_662, %swap3A_663] {strides = array<i32>} : memref<16x128xf32, #tpu.memory_space<vmem>>, vector<1x16xf32>,
        %swap3A_665 = vector.shape_cast %swap3A_664 : vector<1x16xf32> to vector<16xf32>
        %swap3A_666 = vector.shape_cast %add3A_647 : vector<16xf32> to vector<1x16xf32>
        tpu.vector_store %arg11[%swap3A_662, %swap3A_663], %swap3A_666 {strides = array<i32>} : memref<16x128xf32, #tpu.memory_space<vmem>>, vector<1x16xf32>,
        %scan3A_667 = arith.constant 0 : i32
        scf.yield %scan3A_667 : i32
      }
      %scan3A_88 = arith.constant 16 : i32
      %mul3A_89 = arith.constant 16 : i32
      %mul3A_90 = arith.muli %add3A_81, %mul3A_89 : i32
      %add3A_91 = arith.addi %mul3A_4, %mul3A_90 : i32
      %dma_start3A_92 = arith.constant 0 : i32
      %dma_start3A_93 = tpu.memref_slice %arg4[%add3A_91, %dma_start3A_92] : memref<16384x128xf32, #tpu.memory_space<hbm>> -> memref<16x128xf32, #tpu.memory_space<hbm>>
      %dma_start3A_94 = arith.constant 0 : i32
      %dma_start3A_95 = tpu.memref_slice %arg4[%add3A_91, %dma_start3A_94] : memref<16384x128xf32, #tpu.memory_space<hbm>> -> memref<16x128xf32, #tpu.memory_space<hbm>>
      tpu.enqueue_dma source(%arg11 : memref<16x128xf32, #tpu.memory_space<vmem>>) target(%dma_start3A_95 : memref<16x128xf32, #tpu.memory_space<hbm>>) target_semaphore(%arg15 : memref<!tpu.dma_semaphore, #tpu.memory_space<semaphore_mem>>)
      %scan3A_96 = arith.constant 0 : i32
      scf.yield %scan3A_96 : i32
    }
    %scan3A_21 = arith.constant 16 : i32
    %dma_wait3A = arith.constant 0 : i32
    %dma_wait3A_22 = tpu.memref_slice %arg4[%mul3A_4, %dma_wait3A] : memref<16384x128xf32, #tpu.memory_space<hbm>> -> memref<16x128xf32, #tpu.memory_space<hbm>>
    %dma_wait3A_23 = arith.constant 0 : i32
    %dma_wait3A_24 = tpu.memref_slice %arg4[%mul3A_4, %dma_wait3A_23] : memref<16384x128xf32, #tpu.memory_space<hbm>> -> memref<16x128xf32, #tpu.memory_space<hbm>>
    tpu.wait_dma2 semaphore(%arg14 : memref<!tpu.dma_semaphore, #tpu.memory_space<semaphore_mem>>) src(%arg10 : memref<16x128xf32, #tpu.memory_space<vmem>>) dst(%dma_wait3A_24 : memref<16x128xf32, #tpu.memory_space<hbm>>)
    %dma_wait3A_25 = arith.constant 0 : i32
    %dma_wait3A_26 = tpu.memref_slice %arg4[%mul3A_4, %dma_wait3A_25] : memref<16384x128xf32, #tpu.memory_space<hbm>> -> memref<16x128xf32, #tpu.memory_space<hbm>>
    %dma_wait3A_27 = arith.constant 0 : i32
    %dma_wait3A_28 = tpu.memref_slice %arg4[%mul3A_4, %dma_wait3A_27] : memref<16384x128xf32, #tpu.memory_space<hbm>> -> memref<16x128xf32, #tpu.memory_space<hbm>>
    tpu.wait_dma2 semaphore(%arg15 : memref<!tpu.dma_semaphore, #tpu.memory_space<semaphore_mem>>) src(%arg11 : memref<16x128xf32, #tpu.memory_space<vmem>>) dst(%dma_wait3A_28 : memref<16x128xf32, #tpu.memory_space<hbm>>)
    return
  }
}

</mosaic_0001>

<sc_bundles>
// kernel: kernel.3.cloned.1.call-start
scs
__scs_entry_jumppad:
0x0: {  	(pc) =	sbr.rel $0x88, $3  }
0x1: {  	(tag) =	ssettag $0x0;
	lr =	simm.s32 $0x1  }
0x2: {  	[smem:$0x3F9F] =	sst lr;
	_ =	strace $0xD0000000  }
0x3: {  	_ = 	snop  }
0x4: {  	_ = 	snop  }
0x5: {  	_ = 	snop  }
0x6: {  	_ = 	snop  }
0x7: {  	_ = 	snop  }
__scs_overlays_trampoline_lowered:
0x8: {  	[smem:$0x3FAE] =	sst s0  }
0x9: {  	[smem:$0x3FAF] =	sst s1  }
0xa: {  	[smem:$0x3FB0] =	sst s2  }
0xb: {  	[smem:$0x3FB1] =	sst s3  }
0xc: {  	[smem:$0x3FB2] =	sst s4  }
0xd: {  	[smem:$0x3FB3] =	sst s5  }
0xe: {  	[smem:$0x3FB4] =	sst s6  }
0xf: {  	[smem:$0x3FB5] =	sst s7  }
0x10: {  	[smem:$0x3FB6] =	sst s8  }
0x11: {  	[smem:$0x3FB7] =	sst s9;
	s0 =	simm.s32 @!p0 $0x0  }
0x12: {  	s1 =	sld [smem:$0x3F9D];
	s0 =	simm.s32 @p0 $0x1  }
0x13: {  	[smem:$0x3FB8] =	sst s0;
	s0 =	simm.s32 @!p1 $0x0  }
0x14: {  	s2 =	sld [smem:$0x3F9C];
	s0 =	simm.s32 @p1 $0x1  }
0x15: {  	[smem:$0x3FB9] =	sst s0;
	s0 =	simm.s32 @!p2 $0x0  }
0x16: {  	s3 =	sld [smem:$0x3FDB];
	s0 =	simm.s32 @p2 $0x1  }
0x17: {  	s4 =	simm.s32 $0x1BF5;
	[smem:$0x3FBB] =	sst s0  }
0x18: {  	s0 =	sld [smem:$0x3F9E];
	_ =	swait.ge [sflag:s4], $0x0  }
0x19: {  	s7 =	sld [smem:$0x3F9F]  }
0x1a: {  	s8 =	sadd.s32 $0xFFFFE003, lr  }
0x1b: {  	s9 =	sadd.s32 $0xFFFFFEF7, lr;
	s5 =	simm.s32 $0xFFFFFFFF;
	p2 =	slt.u32 s8, $0xFFFFF086  }
0x1c: {  	p1 =	slt.u32 s9, $0xF7A;
	s5 =	simm.s32 @!p2 $0x0  }
0x1d: {  	s5 =	simm.s32 @p1 $0x1;
	p0 =	seq.s32 s7, s2  }
0x1e: {  	s7 =	smul.u32 @!p0 $0xF7A, s2;
	p2 =	seq.s32 @!p0 s5, $0x0  }
0x1f: {  	s9 =	smul.u32 $0xF7A, s1;
	s8 =	simm.s32 @!p0 $0x1BF5;
	p2 =	por !p2, p0  }
0x20: {  	[sflag:s8] =	ssyncset.s32 @!p0 $0xFFFFF086;
	s6 =	sadd.s32 @!p0 s3, s7;
	s7 =	simm.s32 @!p0 $0x108  }
0x21: {  	s3 =	sadd.s32 s3, s9;
	s6 =	sadd.s32 @!p0 $0x88, s6;
	s7 =	simm.s32 @p2 $0x1082  }
0x22: {  	[simem:s7], [sflag:s8] =	dma.local @!p0 [hbm:s6], $0xF7A  }
0x23: {  	s9 =	sor.u32 $0xD0000000, s2;
	s6 =	simm.s32 $0x108;
	_ =	swait.ge @!p0 [sflag:s8], $0x0  }
0x24: {  	s3 =	sadd.s32 $0x88, s3;
	s6 =	simm.s32 @!p1 $0x1082;
	[sflag:s4] =	ssyncset.s32 $0xFFFFF086  }
0x25: {  	[simem:s6], [sflag:s4] =	dma.local [hbm:s3], $0xF7A  }
0x26: {  	[smem:$0x3F9F] =	sst s1;
	(tag) =	ssettag s2;
	_ =	strace s9  }
0x27: {  	s1 =	sld [smem:$0x3FAF]  }
0x28: {  	s2 =	sld [smem:$0x3FB0]  }
0x29: {  	s4 =	sld [smem:$0x3FB2]  }
0x2a: {  	p0 =	seq.s32 s5, $0x0;
	s5 =	sld [smem:$0x3FB3]  }
0x2b: {  	s6 =	sld [smem:$0x3FB4]  }
0x2c: {  	s7 =	sld [smem:$0x3FB5]  }
0x2d: {  	s3 =	simm.s32 $0x108;
	s8 =	sld [smem:$0x3FB6]  }
0x2e: {  	s3 =	simm.s32 @!p0 $0x1082;
	s9 =	sld [smem:$0x3FB7]  }
0x2f: {  	lr =	sadd.s32 s0, s3;
	s0 =	sld [smem:$0x3FAE]  }
0x30: {  	s3 =	sld [smem:$0x3FB1]  }
0x31: {  	[smem:$0x3FBA] =	sst s10  }
0x32: {  	s10 =	sld [smem:$0x3FB8];
	_ =	sdelay $0x3  }
0x33: {  	p0 =	seq.s32 s10, $0x1;
	s10 =	sld [smem:$0x3FBA];
	_ =	sdelay $0x3  }
0x34: {  	[smem:$0x3FBA] =	sst s10  }
0x35: {  	s10 =	sld [smem:$0x3FB9];
	_ =	sdelay $0x3  }
0x36: {  	p1 =	seq.s32 s10, $0x1;
	s10 =	sld [smem:$0x3FBA];
	_ =	sdelay $0x3  }
0x37: {  	[smem:$0x3FBA] =	sst s10  }
0x38: {  	s10 =	sld [smem:$0x3FBB]  }
0x39: {  	_ = 	snop;
	(pc) =	sbr.ind lr, $3  }
0x3a: {  	_ = 	snop  }
0x3b: {  	_ = 	snop  }
0x3c: {  	p2 =	seq.s32 s10, $0x1;
	s10 =	sld [smem:$0x3FBA]  }
0x3d: {  	_ =	shalt  }
0x3e: {  	_ =	shalt  }
0x3f: {  	_ =	shalt  }
0x40: {  	_ =	shalt  }
0x41: {  	_ =	shalt  }
0x42: {  	_ =	shalt  }
0x43: {  	_ =	shalt  }
0x44: {  	_ =	shalt  }
0x45: {  	_ =	shalt  }
0x46: {  	_ =	shalt  }
0x47: {  	_ =	shalt  }
0x48: {  	_ =	shalt  }
0x49: {  	_ =	shalt  }
0x4a: {  	_ =	shalt  }
0x4b: {  	_ =	shalt  }
0x4c: {  	_ =	shalt  }
0x4d: {  	_ =	shalt  }
0x4e: {  	_ =	shalt  }
0x4f: {  	_ =	shalt  }
0x50: {  	_ =	shalt  }
0x51: {  	_ =	shalt  }
0x52: {  	_ =	shalt  }
0x53: {  	_ =	shalt  }
0x54: {  	_ =	shalt  }
0x55: {  	_ =	shalt  }
0x56: {  	_ =	shalt  }
0x57: {  	_ =	shalt  }
0x58: {  	_ =	shalt  }
0x59: {  	_ =	shalt  }
0x5a: {  	_ =	shalt  }
0x5b: {  	_ =	shalt  }
0x5c: {  	_ =	shalt  }
0x5d: {  	_ =	shalt  }
0x5e: {  	_ =	shalt  }
0x5f: {  	_ =	shalt  }
0x60: {  	_ =	shalt  }
0x61: {  	_ =	shalt  }
0x62: {  	_ =	shalt  }
0x63: {  	_ =	shalt  }
0x64: {  	_ =	shalt  }
0x65: {  	_ =	shalt  }
0x66: {  	_ =	shalt  }
0x67: {  	_ =	shalt  }
0x68: {  	_ =	shalt  }
0x69: {  	_ =	shalt  }
0x6a: {  	_ =	shalt  }
0x6b: {  	_ =	shalt  }
0x6c: {  	_ =	shalt  }
0x6d: {  	_ =	shalt  }
0x6e: {  	_ =	shalt  }
0x6f: {  	_ =	shalt  }
0x70: {  	_ =	shalt  }
0x71: {  	_ =	shalt  }
0x72: {  	_ =	shalt  }
0x73: {  	_ =	shalt  }
0x74: {  	_ =	shalt  }
0x75: {  	_ =	shalt  }
0x76: {  	_ =	shalt  }
0x77: {  	_ =	shalt  }
0x78: {  	_ =	shalt  }
0x79: {  	_ =	shalt  }
0x7a: {  	_ =	shalt  }
0x7b: {  	_ =	shalt  }
0x7c: {  	_ =	shalt  }
0x7d: {  	_ =	shalt  }
0x7e: {  	_ =	shalt  }
0x7f: {  	_ =	shalt  }
0x80: {  	_ =	shalt  }
0x81: {  	_ =	shalt  }
0x82: {  	_ =	shalt  }
0x83: {  	_ =	shalt  }
0x84: {  	_ =	shalt  }
0x85: {  	_ =	shalt  }
0x86: {  	_ =	shalt  }
0x87: {  	_ =	shalt  }
.Lfunc_end0:
.L_simem_size_0:
called_computation_lowered:
.L_overlay_start_0:
0x88: {  	s2 =	sld [smem:$0x3FD9]  }
0x89: {  	s3 =	sld [smem:$0x3FFE];
	_ =	sdelay $0x1  }
0x8a: {  	s1 =	srdreg.scid  }
0x8b: {  	s0 =	sand.u32 $0x1, s1  }
0x8c: {  	s14 =	sshll.u32 s0, $0xA;
	s2 =	sadd.s32 s3, s2  }
0x8d: {  	s2 =	sadd.s32 s2, s14  }
0x8e: {  	[smem:$0x3FC6] =	sst s2  }
0x8f: {  	_ = 	snop  }
0x90: {  	s2 =	sld [smem:$0x3FD0];
	_ =	sdelay $0x2  }
0x91: {  	s15 =	simm.s32 $0xA;
	s4 =	simm.s32 $0x10  }
0x92: {  	[smem:s4], [sflag:s15] =	dma.local [hbm:s2], $0x1  }
0x93: {  	_ =	swait.eq [sflag:s15], $0x1  }
0x94: {  	[sflag:s15] =	ssyncset.done $0x0  }
0x95: {  	s16 =	sld [smem:$0x10];
	[sflag:s15] =	ssyncadd.s32 $0xFFFFFFFF  }
0x96: {  	s17 =	sld [smem:$0x11];
	(tm) =	ssettm $0x1  }
0x97: {  	s18 =	sld [smem:$0x3FFB];
	_ =	sdelay $0x3  }
0x98: {  	_ =	strace s18  }
0x99: {  	s4 =	sld [smem:$0x3FFC];
	_ =	sdelay $0x3  }
0x9a: {  	_ =	strace s4  }
0x9b: {  	s4 =	sld [smem:$0x3FFD];
	_ =	sdelay $0x3  }
0x9c: {  	_ =	strace s4  }
0x9d: {  	_ =	strace $0x8FFFFFFF  }
0x9e: {  	s19 =	sld [smem:$0x3FDB];
	_ =	sdelay $0x1  }
0x9f: {  	s5 =	simm.s32 $_scs_section_size  }
0xa0: {  	s6 =	simm.s32 $_size__tile_overlayer_lowered;
	s7 =	simm.s32 $_tile_overlayer_lowered  }
0xa1: {  	s22 =	simm.s32 $0x1BFF;
	s21 =	sshll.u32 s7, $0x1;
	s4 =	sadd.s32 s5, s19  }
0xa2: {  	s8 =	simm.s32 $0x0;
	s20 =	sshll.u32 s6, $0x1;
	s6 =	sadd.s32 s21, s4  }
0xa3: {  	[timem:s8], [sflag:s22] =	dma.local [hbm:s6], s20  }
0xa4: {  	_ =	swait.ge [sflag:s22], s20  }
0xa5: {  	s5 =	ssub.s32 $0x0, s20;
	[sflag:s22] =	ssyncset.done $0x0  }
0xa6: {  	[sflag:s22] =	ssyncadd.s32 s5;
	_ =	sdelay $0x1  }
0xa7: {  	s23 =	simm.s32 $0x1B8B  }
0xa8: {  	_ =	swait.ge [sflag:s23], $0x1  }
0xa9: {  	[sflag:s23] =	ssyncset.done $0x0  }
0xaa: {  	s25 =	simm.s32 $0x1B8E;
	s24 =	sld [smem:$0x3FFE];
	[sflag:s23] =	ssyncadd.s32 $0xFFFFFFFF  }
0xab: {  	s26 =	simm.s32 $execute0_lowered;
	[smem:$0x3FD2] =	sst s25  }
0xac: {  	s6 =	sshll.u32 s26, $0x1;
	_ =	strace $0x80000046;
	[dreg:$0x1] =	wrdreg $0xFFFFFFFF  }
0xad: {  	s28 =	simm.s32 $_size_execute0_lowered;
	s4 =	sadd.s32 s4, s6;
	[dreg:$0x0] =	wrdreg $0x0  }
0xae: {  	s6 =	sshll.u32 s28, $0x1;
	[dreg:$0x2] =	wrdreg s4  }
0xaf: {  	[dreg:$0x3] =	wrdreg s6  }
0xb0: {  	[dreg:$0x4] =	wrdreg $0xC0  }
0xb1: {  	_ =	task [dreg:s8], $0x5FFFF  }
0xb2: {  	[dreg:$0x1] =	wrdreg $0xFFFFFFFF  }
0xb3: {  	[dreg:$0x0] =	wrdreg $0x60  }
0xb4: {  	[dreg:$0x2] =	wrdreg s17  }
0xb5: {  	[dreg:$0x3] =	wrdreg s24  }
0xb6: {  	[dreg:$0x4] =	wrdreg s16  }
0xb7: {  	[dreg:$0x5] =	wrdreg $0x9  }
0xb8: {  	_ =	task.clear_ibuf [dreg:s8], $0x6FFFF;
	_ =	strace $0x90000046  }
0xb9: {  	s29 =	simm.s32 $0x9;
	_ =	strace $0x80000048  }
0xba: {  	_ =	swait.ge [sflag:s29], $0x1  }
0xbb: {  	[sflag:s29] =	ssyncadd.s32 $0xFFFFFFFF  }
0xbc: {  	_ =	strace $0x90000048  }
0xbd: {  	_ =	sfence  }
0xbe: {  	s30 =	sld [smem:$0x0];
	_ =	sdelay $0x2  }
0xbf: {  	s31 =	sshll.u32 s1, $0xD;
	s1 =	sshrl.u32 s1, $0x2  }
0xc0: {  	s3 =	sand.u32 $0x4000, s31;
	s1 =	sadd.s32 s1, s30  }
0xc1: {  	s0 =	sor.u32 s3, s0;
	s1 =	sshll.u32 s1, $0x11  }
0xc2: {  	s0 =	sor.u32 s1, s0  }
0xc3: {  	s0 =	sadd.s32 $0x8F2B, s0  }
0xc4: {  	[sflag:s0] =	ssyncadd.remote.s32 $0x1  }
0xc5: {  	_ =	sfence.sel $0xFFFF  }
0xc6: {  	[dreg:$0x0] =	wrdreg $0xFFFFFFFF;
	(pc) =	sbr.abs _section_cstart, $3  }
0xc7: {  	[dreg:$0x1] =	wrdreg $0xFFFFFFFF  }
0xc8: {  	_ =	task.clear_ibuf [dreg:s8], $0x2FFFF;
	_ =	strace $0x9FFFFFFF  }
0xc9: {  	(tm) =	ssettm $0x7FFFFFFF  }
tec
execute0_lowered:
.L_overlay_start_1:
0x0: {  	(tag) =	ssettag $0x1  }
0x1: {  	s0 =	rddreg [dreg:$0x0]  }
0x2: {  	s3 =	srdreg.scid;
	s4 =	stileid.u32  }
0x3: {  	s1 =	rddreg [dreg:$0x1];
	s3 =	sand.u32 $0x1, s3;
	s4 =	sshll.u32 s4, $0x1  }
0x4: {  	s2 =	rddreg [dreg:$0x2];
	s8 =	simm.s32 $0x0;
	s4 =	sor.u32 s3, s4  }
0x5: {  	v0 =	vimm.s32 $0xECA86420;
	[smem:$0x7FF] =	sst s8;
	s26 =	sadd.s32 $0xF43600, s1;
	s6 =	smul.u32 $0x500, s4  }
0x6: {  	vm0 =	vcmask $0xB08;
	vm1 =	vcmask $0x1310;
	vm2 =	vcmask $0x1B18;
	_ =	strace $0x80000047;
	s5 =	ssub.s32 $0x2, s3;
	[dreg:$0x4] =	wrdreg s26  }
0x7: {  	vm11 =	vcmask $0x300;
	vm4 =	vcmask $0x2320;
	vm5 =	vcmask $0x2B28;
	s4 =	sshll.u32 s4, $0xD;
	s7 =	sshrl.u32 s5, $0x1;
	s0 =	sadd.s32 s0, s6  }
0x8: {  	vm6 =	vcmask $0x3330;
	vm7 =	vcmask $0x3B38;
	v1 =	vlaneseq.u32;
	s28 =	ssub.s32 s5, s7;
	s29 =	sadd.s32 s2, s6;
	[dreg:$0x5] =	wrdreg s0  }
0x9: {  	vm8 =	vmmov $0xff;
	vm9 =	vcmask $0x704;
	v0 =	vunpack.c.l.s4.s8 v0;
	s1 =	sadd.s32 s4, s1;
	s31 =	smax.u32 s28, $0x1;
	[dreg:$0x6] =	wrdreg s29  }
0xa: {  	vm12 =	vcmask $0x1714;
	vm14 =	vcmask $0x2724;
	vm15 =	vcmask $0x3734;
	s30 =	sadd.s32 $0x1200, s1;
	[dreg:$0x8] =	wrdreg s31  }
0xb: {  	vm13 =	vcmask $0x1F1C;
	v1 =	vmul.u32 $0x2, v1;
	v0 =	vunpack.c.0.s8.s32 v0;
	s4 =	simm.s32 $0x5;
	s1 =	simm.s32 $0x0;
	[dreg:$0x7] =	wrdreg s30  }
.LBB2_1:
0xc: {  	[dreg:$0x9] =	wrdreg s1  }
0xd: {  	s0 =	rddreg [dreg:$0x5]  }
0xe: {  	[tilespmem:s8], [sflag:$0x5] =	stream.linear.gather [hbm4b:s0+s8], $0x2800, $0x38;
	[tilespmem:$0x1A000] =	vst v63  }
0xf: {  	_ =	swait.ge [sflag:s4], $0x2800  }
0x10: {  	[sflag:s4] =	ssyncset.done $0x0  }
0x11: {  	s20 =	simm.s32 $0x0;
	[sflag:s4] =	ssyncadd.s32 $0xFFFFD800  }
0x12: {  	v2 =	vld [tilespmem:s20+$0x0];
	_ =	sdelay $0x4  }
0x13: {  	v2 =	vmul.u32 $0x1F, v2;
	_ =	sdelay $0x1  }
0x14: {  	v2 =	vadd.s32 $0x11, v2  }
0x15: {  	(v2sf) =	vpush v2, $0x7;
	_ =	sdelay $0x1  }
0x16: {  	(v2sf) =	vpush v2, $0x0  }
0x17: {  	(v2sf) =	vpush v2, $0x1  }
0x18: {  	(v2sf) =	vpush v2, $0x2;
	_ =	sdelay $0x2  }
0x19: {  	(v2sf) =	vpush v2, $0x3  }
0x1a: {  	(v2sf) =	vpush v2, $0x4;
	_ =	sdelay $0x1  }
0x1b: {  	(v2sf) =	vpush v2, $0xC  }
0x1c: {  	(v2sf) =	vpush v2, $0xD;
	_ =	sdelay $0x1  }
0x1d: {  	(v2sf) =	vpush v2, $0xE;
	_ =	sdelay $0x1  }
0x1e: {  	(v2sf) =	vpush v2, $0x8;
	s24 =	spop (v2sf)  }
0x1f: {  	(v2sf) =	vpush v2, $0x9;
	s25 =	sshra.s32 s24, $0x1F;
	s0 =	smulhi.u32 $0x431BDE83, s24  }
0x20: {  	(v2sf) =	vpush v2, $0xA;
	s26 =	spop (v2sf);
	s1 =	smul.u32 $0x431BDE83, s25  }
0x21: {  	s2 =	spop (v2sf);
	s29 =	smulhi.u32 $0x431BDE83, s26  }
0x22: {  	s5 =	spop (v2sf);
	s7 =	smulhi.u32 $0x431BDE83, s2  }
0x23: {  	s2 =	sshra.s32 s2, $0x1F;
	s9 =	smulhi.u32 $0x431BDE83, s5  }
0x24: {  	s5 =	sshra.s32 s5, $0x1F;
	s2 =	smul.u32 $0x431BDE83, s2  }
0x25: {  	s10 =	spop (v2sf);
	s21 =	sadd.s32 s1, s0;
	s14 =	smul.u32 $0x431BDE83, s5  }
0x26: {  	s11 =	sshra.s32 s10, $0x1F;
	s12 =	spop (v2sf);
	s0 =	smulhi.u32 $0x431BDE83, s10  }
0x27: {  	s16 =	sshra.s32 s12, $0x1F;
	s11 =	smul.u32 $0x431BDE83, s11  }
0x28: {  	s3 =	spop (v2sf);
	s31 =	smul.u32 $0x431BDE83, s16  }
0x29: {  	s8 =	sshra.s32 s26, $0x1F;
	s6 =	spop (v2sf);
	s1 =	smulhi.u32 $0x431BDE83, s3  }
0x2a: {  	(v2sf) =	vpush v2, $0xB;
	s2 =	sadd.s32 s2, s7;
	s10 =	sshra.s32 s3, $0x1F;
	s17 =	smulhi.u32 $0x431BDE83, s6  }
0x2b: {  	s9 =	sadd.s32 s14, s9;
	s13 =	spop (v2sf);
	s16 =	smul.u32 $0x431BDE83, s10  }
0x2c: {  	s7 =	sshra.s32 s6, $0x1F;
	s24 =	sshra.s32 s9, $0x12;
	s19 =	smulhi.u32 $0x431BDE83, s13  }
0x2d: {  	s18 =	spop (v2sf);
	s14 =	sshra.s32 s13, $0x1F;
	s7 =	smul.u32 $0x431BDE83, s7  }
0x2e: {  	s23 =	sshrl.u32 s9, $0x1F;
	s26 =	spop (v2sf);
	s14 =	smul.u32 $0x431BDE83, s14  }
0x2f: {  	s15 =	sshra.s32 s18, $0x1F;
	s6 =	smulhi.u32 $0x431BDE83, s18;
	s30 =	spop (v2sf)  }
0x30: {  	s25 =	sshra.s32 s9, $0x1F;
	s9 =	smul.u32 $0x431BDE83, s15;
	s22 =	sshra.s32 s30, $0x1F  }
0x31: {  	s28 =	simm.s32 $0x80;
	s4 =	smul.u32 $0x431BDE83, s22;
	s22 =	simm.s32 $0x10  }
0x32: {  	(v2sf) =	vpush v2, $0xF;
	s5 =	sshra.s32 s21, $0x1F;
	s3 =	sshra.s32 s26, $0x1F;
	s26 =	smulhi.u32 $0x431BDE83, s26;
	v3 =	vld [tilespmem:s22+$0x0]  }
0x33: {  	(v2sf) =	vpush v2, $0x5;
	s1 =	sadd.s32 s16, s1;
	s10 =	sadd.s32 s14, s19;
	s14 =	smulhi.u32 $0x431BDE83, s12  }
0x34: {  	s11 =	sadd.s32 s11, s0;
	s18 =	sshrl.u32 s1, $0x1F;
	s19 =	smul.u32 $0x431BDE83, s8  }
0x35: {  	(v2sf) =	vpush v2, $0x6;
	s13 =	sshra.s32 s1, $0x12;
	s1 =	sshra.s32 s2, $0x1F;
	s3 =	smul.u32 $0x431BDE83, s3  }
0x36: {  	s7 =	sadd.s32 s7, s17;
	s9 =	sadd.s32 s9, s6;
	s6 =	smulhi.u32 $0x431BDE83, s30  }
0x37: {  	s0 =	sshrl.u32 s10, $0x1F;
	s30 =	sshra.s32 s11, $0x1F;
	s31 =	sadd.s32 s31, s14;
	v3 =	vmul.u32 $0x1F, v3  }
0x38: {  	s8 =	sadd.s32 s19, s29;
	s29 =	sshra.s32 s11, $0x12;
	s14 =	sadd.s32 s3, s26  }
0x39: {  	vm3 =	vmmov vm15;
	s16 =	sshra.s32 s9, $0x12;
	s26 =	sshrl.u32 s11, $0x1F;
	s15 =	spop (v2sf);
	v3 =	vadd.s32 $0x11, v3  }
0x3a: {  	vm15 =	vcmask $0x2F2C;
	v7 =	vmov s5;
	s9 =	sshrl.u32 s9, $0x1F;
	s12 =	sshra.s32 s15, $0x1F;
	s15 =	smulhi.u32 $0x431BDE83, s15;
	(v2sf) =	vpush v3, $0x7  }
0x3b: {  	v5 =	vmov s18;
	v4 =	vmov s13;
	s19 =	sadd.s32 s4, s6;
	s4 =	sshrl.u32 s2, $0x1F;
	s12 =	smul.u32 $0x431BDE83, s12;
	(v2sf) =	vpush v3, $0x0  }
0x3c: {  	v8 =	vmov s16;
	v6 =	vmov s9;
	s17 =	sshra.s32 s8, $0x12;
	s18 =	sshra.s32 s14, $0x12;
	s9 =	sshra.s32 s10, $0x12;
	(v2sf) =	vpush v3, $0x1  }
0x3d: {  	v7 =	vsel vm11, s17, v7;
	v8 =	vsel vm0, s18, v8;
	s17 =	sshra.s32 s19, $0x12;
	s11 =	sadd.s32 s12, s15;
	s12 =	sshra.s32 s2, $0x12;
	(v2sf) =	vpush v3, $0x2  }
.LBB2_2:
0x3e: {  	s2 =	sshrl.u32 s7, $0x1F  }
0x3f: {  	s10 =	sshrl.u32 s8, $0x1F;
	s13 =	sshra.s32 s11, $0x12;
	s18 =	smov.u32 s28  }
0x40: {  	(v2sf) =	vpush v3, $0x3;
	v8 =	vsel vm1, s17, v8;
	s5 =	smov.u32 s20;
	s20 =	smov.u32 s22;
	s8 =	sshra.s32 s8, $0x1F  }
0x41: {  	s7 =	sshra.s32 s7, $0x12;
	(v2sf) =	vpush v3, $0x4;
	v5 =	vsel vm0, s2, v5;
	s2 =	sshrl.u32 s14, $0x1F;
	v8 =	vsel vm2, s13, v8;
	s13 =	spop (v2sf)  }
0x42: {  	vm10 =	vcmask $0xF0C;
	v7 =	vsel vm9, s8, v7;
	s14 =	smulhi.u32 $0x431BDE83, s13;
	s13 =	sshra.s32 s13, $0x1F;
	v6 =	vsel vm0, s2, v6;
	s2 =	spop (v2sf)  }
0x43: {  	v9 =	vmov s10;
	v4 =	vsel vm0, s7, v4;
	v7 =	vsel vm0, s12, v7;
	s8 =	smul.u32 $0x431BDE83, s13;
	s10 =	sshra.s32 s2, $0x1F  }
0x44: {  	v9 =	vnsel vm11, $0x0, v9;
	(v2sf) =	vpush v3, $0xC;
	s12 =	spop (v2sf);
	s13 =	sshrl.u32 s19, $0x1F;
	v7 =	vsel vm10, s1, v7;
	s2 =	smulhi.u32 $0x431BDE83, s2  }
0x45: {  	v9 =	vsel vm0, s4, v9;
	s1 =	sshrl.u32 s11, $0x1F;
	(v2sf) =	vpush v3, $0xD;
	s4 =	smulhi.u32 $0x431BDE83, s12;
	s12 =	sshra.s32 s12, $0x1F;
	v7 =	vsel vm1, s24, v7  }
0x46: {  	v5 =	vsel vm1, s0, v5;
	s11 =	sshrl.u32 s31, $0x1F;
	v6 =	vsel vm1, s13, v6;
	s0 =	sadd.s32 s8, s14;
	s8 =	smul.u32 $0x431BDE83, s12;
	v7 =	vsel vm12, s25, v7  }
0x47: {  	s10 =	smul.u32 $0x431BDE83, s10;
	v6 =	vsel vm2, s1, v6;
	s1 =	sshrl.u32 s21, $0x1F;
	(v2sf) =	vpush v3, $0xE;
	s12 =	sshrl.u32 s0, $0x1F;
	v7 =	vsel vm2, s29, v7  }
0x48: {  	v4 =	vsel vm1, s9, v4;
	s0 =	sshra.s32 s0, $0x12;
	s7 =	sadd.s32 s8, s4;
	v7 =	vsel vm13, s30, v7;
	s4 =	sshra.s32 s31, $0x12  }
0x49: {  	s2 =	sadd.s32 s10, s2;
	v5 =	vsel vm2, s12, v5;
	v4 =	vsel vm2, s0, v4;
	v7 =	vsel vm4, s4, v7  }
0x4a: {  	s0 =	sshra.s32 s31, $0x1F;
	s10 =	sshrl.u32 s2, $0x1F;
	s8 =	sshrl.u32 s7, $0x1F;
	v5 =	vcombine.low v6, v5;
	v4 =	vcombine.low v8, v4;
	(v2sf) =	vpush v3, $0x8  }
0x4b: {  	s12 =	sshra.s32 s7, $0x12;
	v6 =	vsel vm14, s0, v7;
	s0 =	sshra.s32 s2, $0x12;
	v7 =	vsel vm1, s23, v9;
	(v2sf) =	vpush v3, $0x9;
	s9 =	spop (v2sf)  }
0x4c: {  	v7 =	vsel vm2, s26, v7;
	s13 =	sshra.s32 s9, $0x1F;
	(v2sf) =	vpush v3, $0xA;
	s14 =	spop (v2sf);
	s9 =	smulhi.u32 $0x431BDE83, s9  }
0x4d: {  	v6 =	vsel vm5, s0, v6;
	s0 =	sshra.s32 s2, $0x1F;
	v7 =	vsel vm4, s11, v7;
	s15 =	spop (v2sf);
	s13 =	smul.u32 $0x431BDE83, s13  }
0x4e: {  	s4 =	sshra.s32 s14, $0x1F;
	v7 =	vsel vm5, s10, v7;
	s16 =	sshra.s32 s15, $0x1F;
	s15 =	smulhi.u32 $0x431BDE83, s15  }
0x4f: {  	v6 =	vsel vm15, s0, v6;
	s17 =	spop (v2sf);
	v7 =	vsel vm6, s8, v7;
	s8 =	smulhi.u32 $0x431BDE83, s14  }
0x50: {  	s7 =	sshra.s32 s7, $0x1F;
	v6 =	vsel vm6, s12, v6;
	s2 =	sshra.s32 s17, $0x1F;
	s17 =	smulhi.u32 $0x431BDE83, s17  }
0x51: {  	s12 =	sshra.s32 s21, $0x12;
	v6 =	vsel vm3, s7, v6;
	s7 =	smul.u32 $0x431BDE83, s16;
	(v2sf) =	vpush v3, $0xB;
	s19 =	spop (v2sf)  }
0x52: {  	s21 =	sadd.s32 s13, s9;
	s22 =	sshra.s32 s19, $0x1F;
	s0 =	spop (v2sf)  }
0x53: {  	v6 =	vsel vm7, s12, v6;
	s9 =	smul.u32 $0x431BDE83, s2;
	s2 =	sshra.s32 s21, $0x1F;
	s11 =	sshra.s32 s0, $0x1F  }
0x54: {  	v6 =	vperm.xlane v6, v1;
	s7 =	sadd.s32 s7, s15;
	s15 =	smulhi.u32 $0x431BDE83, s19;
	s13 =	spop (v2sf)  }
0x55: {  	v5 =	vperm.xlane v5, v0;
	v7 =	vsel vm7, s1, v7;
	s29 =	smul.u32 $0x431BDE83, s22;
	s16 =	spop (v2sf)  }
0x56: {  	v4 =	vperm.xlane v4, v0;
	v7 =	vperm.xlane v7, v1;
	s17 =	sadd.s32 s9, s17;
	s12 =	smul.u32 $0x431BDE83, s11;
	s1 =	sshra.s32 s13, $0x1F  }
0x57: {  	s13 =	smulhi.u32 $0x431BDE83, s13;
	s9 =	sshra.s32 s16, $0x1F;
	s14 =	spop (v2sf)  }
0x58: {  	s10 =	sadd.s32 $0x40, s28;
	v5 =	vsel vm8, v7, v5;
	v4 =	vsel vm8, v6, v4;
	s24 =	sshra.s32 s17, $0x12;
	s11 =	smulhi.u32 $0x431BDE83, s16  }
0x59: {  	s23 =	sshrl.u32 s17, $0x1F;
	s25 =	sshra.s32 s17, $0x1F;
	v4 =	vadd.s32 v5, v4;
	s1 =	smul.u32 $0x431BDE83, s1  }
0x5a: {  	v4 =	vmul.u32 $0xF4240, v4;
	s16 =	sshra.s32 s14, $0x1F;
	s14 =	smulhi.u32 $0x431BDE83, s14;
	s17 =	spop (v2sf)  }
0x5b: {  	s16 =	smul.u32 $0x431BDE83, s16;
	s19 =	sshra.s32 s17, $0x1F;
	s26 =	spop (v2sf)  }
0x5c: {  	vm10 =	vmmov vm9;
	s22 =	sshra.s32 s18, $0x2;
	v4 =	vsub.s32 v2, v4;
	v2 =	vmov v3;
	s31 =	sshra.s32 s26, $0x1F;
	s30 =	spop (v2sf)  }
0x5d: {  	vm9 =	vlt.s32 v4, $0x0;
	v3 =	vadd.s32 $0xF4240, v4;
	s16 =	sadd.s32 s16, s14;
	s14 =	smulhi.u32 $0x431BDE83, s0;
	s18 =	sshra.s32 s30, $0x1F;
	(v2sf) =	vpush v2, $0xF  }
0x5e: {  	s15 =	sadd.s32 s29, s15;
	s1 =	sadd.s32 s1, s13;
	v3 =	vsel vm9, v3, v4;
	vm9 =	vmmov vm10;
	v6 =	vld [tilespmem:s22+$0x0];
	s13 =	smul.u32 $0x431BDE83, s18;
	(v2sf) =	vpush v2, $0x5  }
0x5f: {  	s19 =	smul.u32 $0x431BDE83, s19;
	s18 =	sshrl.u32 s1, $0x1F;
	s1 =	sshra.s32 s1, $0x12;
	(v2sf) =	vpush v2, $0x6;
	[tilespmem:s5+$0x2800] =	vst v3  }
0x60: {  	p0 =	sne.s32 s28, $0x9FC0;
	v5 =	vmov s18;
	s5 =	smulhi.u32 $0x431BDE83, s17;
	s17 =	spop (v2sf)  }
0x61: {  	s18 =	smulhi.u32 $0x431BDE83, s26;
	v4 =	vmov s1;
	s1 =	sshra.s32 s7, $0x1F;
	s28 =	sshra.s32 s17, $0x1F  }
0x62: {  	s29 =	sshra.s32 s15, $0x12;
	s0 =	sshrl.u32 s16, $0x1F;
	s3 =	smulhi.u32 $0x431BDE83, s30  }
0x63: {  	s30 =	sshra.s32 s15, $0x1F;
	s6 =	smul.u32 $0x431BDE83, s31;
	s31 =	sadd.s32 s12, s14;
	v3 =	vmul.u32 $0x1F, v6  }
0x64: {  	s5 =	sadd.s32 s19, s5;
	s19 =	smul.u32 $0x431BDE83, s4;
	s4 =	sshrl.u32 s7, $0x1F  }
0x65: {  	s26 =	sshrl.u32 s15, $0x1F;
	s17 =	smulhi.u32 $0x431BDE83, s17;
	s15 =	sshra.s32 s5, $0x12;
	v3 =	vadd.s32 $0x11, v3  }
.Ltmp0:
0x66: {  	s12 =	sshra.s32 s7, $0x12;
	s5 =	sshrl.u32 s5, $0x1F;
	v8 =	vmov s15;
	(v2sf) =	vpush v3, $0x7;
	(pc) =	sbr.rel @p0 .LBB2_2-.Ltmp0, $4  }
0x67: {  	v7 =	vmov s2;
	s14 =	sadd.s32 s6, s18;
	s15 =	smul.u32 $0x431BDE83, s9;
	v6 =	vmov s5;
	s8 =	sadd.s32 s19, s8;
	(v2sf) =	vpush v3, $0x0  }
0x68: {  	s2 =	smul.u32 $0x431BDE83, s28;
	s28 =	smov.u32 s10;
	s5 =	sshra.s32 s8, $0x12;
	(v2sf) =	vpush v3, $0x1  }
0x69: {  	s19 =	sadd.s32 s13, s3;
	s9 =	sshra.s32 s16, $0x12;
	s3 =	sshra.s32 s14, $0x12;
	v7 =	vsel vm11, s5, v7;
	(v2sf) =	vpush v3, $0x2  }
0x6a: {  	v8 =	vsel vm0, s3, v8;
	s7 =	sadd.s32 s15, s11;
	s11 =	sadd.s32 s2, s17;
	s17 =	sshra.s32 s19, $0x12  }
0x6b: {  	_ = 	snop  }
0x6c: {  	(v2sf) =	vpush v3, $0x3  }
0x6d: {  	s2 =	spop (v2sf)  }
0x6e: {  	(v2sf) =	vpush v3, $0x4;
	s3 =	smulhi.u32 $0x431BDE83, s2;
	s2 =	sshra.s32 s2, $0x1F;
	s5 =	spop (v2sf)  }
0x6f: {  	s2 =	smul.u32 $0x431BDE83, s2;
	s6 =	spop (v2sf)  }
0x70: {  	(v2sf) =	vpush v3, $0xC;
	s10 =	smulhi.u32 $0x431BDE83, s5;
	[dreg:$0x12] =	wrdreg s3  }
0x71: {  	(v2sf) =	vpush v3, $0xD;
	s28 =	smulhi.u32 $0x431BDE83, s6;
	s6 =	sshra.s32 s6, $0x1F;
	[dreg:$0x13] =	wrdreg s2  }
0x72: {  	s13 =	sshra.s32 s5, $0x1F;
	(v2sf) =	vpush v3, $0xE;
	s3 =	smul.u32 $0x431BDE83, s6;
	[dreg:$0x16] =	wrdreg s10  }
0x73: {  	s6 =	smul.u32 $0x431BDE83, s13;
	[dreg:$0x14] =	wrdreg s28  }
0x74: {  	[dreg:$0x17] =	wrdreg s3  }
0x75: {  	[dreg:$0x15] =	wrdreg s6;
	s15 =	spop (v2sf)  }
0x76: {  	(v2sf) =	vpush v3, $0x8;
	s16 =	sshra.s32 s15, $0x1F;
	s13 =	smulhi.u32 $0x431BDE83, s15;
	s18 =	spop (v2sf)  }
0x77: {  	(v2sf) =	vpush v3, $0x9;
	s15 =	smul.u32 $0x431BDE83, s16;
	s28 =	spop (v2sf)  }
0x78: {  	(v2sf) =	vpush v3, $0xA;
	s16 =	spop (v2sf);
	s6 =	smulhi.u32 $0x431BDE83, s28  }
0x79: {  	[dreg:$0x18] =	wrdreg s13;
	s28 =	sshra.s32 s28, $0x1F;
	s10 =	smulhi.u32 $0x431BDE83, s16  }
0x7a: {  	[dreg:$0x1a] =	wrdreg s15;
	s13 =	smul.u32 $0x431BDE83, s28  }
0x7b: {  	s2 =	sshra.s32 s16, $0x1F;
	[dreg:$0x1b] =	wrdreg s6;
	s5 =	spop (v2sf)  }
0x7c: {  	s2 =	smul.u32 $0x431BDE83, s2;
	[dreg:$0x1c] =	wrdreg s10  }
0x7d: {  	[dreg:$0x1e] =	wrdreg s13;
	s13 =	spop (v2sf)  }
0x7e: {  	[dreg:$0x1f] =	wrdreg s2;
	s15 =	sshra.s32 s13, $0x1F  }
0x7f: {  	s16 =	spop (v2sf);
	s3 =	smul.u32 $0x431BDE83, s15  }
0x80: {  	s15 =	spop (v2sf);
	s2 =	smulhi.u32 $0x431BDE83, s16  }
0x81: {  	s28 =	sshra.s32 s16, $0x1F;
	s16 =	smulhi.u32 $0x431BDE83, s5;
	s6 =	spop (v2sf)  }
0x82: {  	[dreg:$0x19] =	wrdreg s3;
	s3 =	smul.u32 $0x431BDE83, s28  }
0x83: {  	[smem:$0x7F5] =	sst s16;
	s10 =	smulhi.u32 $0x431BDE83, s6;
	s16 =	sshra.s32 s6, $0x1F  }
0x84: {  	s28 =	sshra.s32 s5, $0x1F;
	s5 =	smul.u32 $0x431BDE83, s16  }
0x85: {  	[smem:$0x7F3] =	sst s3;
	s3 =	spop (v2sf)  }
0x86: {  	[smem:$0x7F6] =	sst s10;
	s10 =	spop (v2sf)  }
0x87: {  	[smem:$0x7F4] =	sst s2;
	s2 =	spop (v2sf)  }
0x88: {  	[smem:$0x7F7] =	sst s5;
	s6 =	sshra.s32 s2, $0x1F;
	s2 =	smulhi.u32 $0x431BDE83, s2  }
0x89: {  	s5 =	rddreg [dreg:$0x16];
	s16 =	smul.u32 $0x431BDE83, s6  }
0x8a: {  	s6 =	sshra.s32 s3, $0x1F;
	s3 =	smulhi.u32 $0x431BDE83, s3;
	[smem:$0x7FD] =	sst s2  }
0x8b: {  	[smem:$0x7FC] =	sst s16  }
0x8c: {  	s16 =	smul.u32 $0x431BDE83, s6;
	[smem:$0x7F9] =	sst s3  }
0x8d: {  	s6 =	smulhi.u32 $0x431BDE83, s13;
	s13 =	rddreg [dreg:$0x12]  }
0x8e: {  	[smem:$0x7F8] =	sst s16  }
0x8f: {  	[smem:$0x7FA] =	sst s6  }
0x90: {  	s16 =	rddreg [dreg:$0x13]  }
0x91: {  	s3 =	sadd.s32 s16, s13;
	s13 =	rddreg [dreg:$0x14]  }
0x92: {  	s6 =	smulhi.u32 $0x431BDE83, s18;
	s16 =	rddreg [dreg:$0x17]  }
0x93: {  	[dreg:$0x1d] =	wrdreg s3  }
0x94: {  	[smem:$0x7FB] =	sst s6  }
0x95: {  	s3 =	rddreg [dreg:$0x15]  }
0x96: {  	s6 =	rddreg [dreg:$0x18]  }
0x97: {  	s16 =	sadd.s32 s16, s13;
	s13 =	rddreg [dreg:$0x1a]  }
0x98: {  	s18 =	sshra.s32 s18, $0x1F;
	s2 =	sadd.s32 s13, s6;
	s6 =	rddreg [dreg:$0x1b]  }
0x99: {  	s13 =	smul.u32 $0x431BDE83, s18;
	s18 =	rddreg [dreg:$0x1e]  }
0x9a: {  	s3 =	sadd.s32 s3, s5;
	s5 =	sld [smem:$0x7F4]  }
0x9b: {  	[dreg:$0xd] =	wrdreg s2;
	s2 =	sadd.s32 s18, s6  }
0x9c: {  	[dreg:$0xf] =	wrdreg s2  }
0x9d: {  	s2 =	sld [smem:$0x7F3];
	_ =	sdelay $0x2  }
0x9e: {  	s6 =	rddreg [dreg:$0x1c];
	s2 =	sadd.s32 s2, s5  }
0x9f: {  	s28 =	smul.u32 $0x431BDE83, s28;
	[dreg:$0x10] =	wrdreg s2  }
0xa0: {  	s5 =	smulhi.u32 $0x431BDE83, s15;
	s15 =	sshra.s32 s15, $0x1F;
	s2 =	sld [smem:$0x7F5]  }
0xa1: {  	s18 =	rddreg [dreg:$0x1f];
	s15 =	smul.u32 $0x431BDE83, s15  }
0xa2: {  	v8 =	vsel vm1, s17, v8;
	s17 =	sshrl.u32 s31, $0x1F;
	s18 =	sadd.s32 s18, s6  }
0xa3: {  	(v2sf) =	vpush v3, $0xB;
	s5 =	sadd.s32 s15, s5;
	s2 =	sadd.s32 s28, s2;
	s28 =	sld [smem:$0x7F7]  }
0xa4: {  	s6 =	smulhi.u32 $0x431BDE83, s10;
	s10 =	sshra.s32 s10, $0x1F;
	[dreg:$0xb] =	wrdreg s5  }
0xa5: {  	s15 =	sshra.s32 s8, $0x1F;
	s5 =	sshrl.u32 s14, $0x1F;
	[dreg:$0xc] =	wrdreg s2  }
0xa6: {  	(v2sf) =	vpush v3, $0xF;
	s14 =	sshrl.u32 s19, $0x1F;
	s2 =	smul.u32 $0x431BDE83, s10;
	s10 =	sld [smem:$0x7F6]  }
0xa7: {  	v7 =	vsel vm9, s15, v7;
	s15 =	sshra.s32 s11, $0x12;
	s11 =	sshrl.u32 s11, $0x1F;
	s19 =	rddreg [dreg:$0x1d]  }
0xa8: {  	vm15 =	vcmask $0xF0C;
	v7 =	vsel vm0, s12, v7;
	s12 =	sshrl.u32 s19, $0x1F;
	s19 =	sshra.s32 s19, $0x12;
	s2 =	sadd.s32 s2, s6  }
0xa9: {  	v8 =	vsel vm2, s15, v8;
	v7 =	vsel vm15, s1, v7;
	s6 =	sshrl.u32 s8, $0x1F;
	s10 =	sadd.s32 s28, s10;
	s28 =	sld [smem:$0x7F9]  }
0xaa: {  	s15 =	sshrl.u32 s16, $0x1F;
	v6 =	vsel vm0, s5, v6;
	s5 =	sshrl.u32 s21, $0x1F;
	v7 =	vsel vm1, s24, v7;
	v9 =	vmov s6;
	[dreg:$0xe] =	wrdreg s10  }
0xab: {  	s21 =	sshra.s32 s21, $0x12;
	s1 =	sshra.s32 s31, $0x12;
	v7 =	vsel vm12, s25, v7;
	s10 =	sld [smem:$0x7F8];
	v9 =	vnsel vm11, $0x0, v9  }
0xac: {  	s8 =	sshrl.u32 s7, $0x1F;
	s7 =	sshra.s32 s7, $0x12;
	v7 =	vsel vm2, s29, v7;
	s29 =	rddreg [dreg:$0x10];
	v9 =	vsel vm0, s4, v9  }
0xad: {  	s24 =	sshra.s32 s3, $0x1F;
	s6 =	sshrl.u32 s3, $0x1F;
	v9 =	vsel vm1, s23, v9;
	s23 =	rddreg [dreg:$0xf]  }
0xae: {  	v5 =	vsel vm0, s8, v5;
	s8 =	sshra.s32 s3, $0x12;
	s10 =	sadd.s32 s10, s28;
	s28 =	sld [smem:$0x7FA]  }
0xaf: {  	(v2sf) =	vpush v3, $0x5;
	s25 =	sshra.s32 s16, $0x12;
	s16 =	sshra.s32 s16, $0x1F;
	[dreg:$0x11] =	wrdreg s10  }
0xb0: {  	(v2sf) =	vpush v3, $0x6;
	s3 =	sshra.s32 s18, $0x1F;
	v5 =	vsel vm1, s0, v5;
	s0 =	sshrl.u32 s18, $0x1F;
	s10 =	rddreg [dreg:$0x19]  }
0xb1: {  	s4 =	sshra.s32 s18, $0x12;
	s10 =	sadd.s32 s10, s28;
	s28 =	sld [smem:$0x7FB]  }
0xb2: {  	v4 =	vsel vm0, s7, v4;
	v7 =	vsel vm13, s30, v7;
	s18 =	spop (v2sf);
	s7 =	sshra.s32 s29, $0x12;
	[dreg:$0xa] =	wrdreg s10  }
0xb3: {  	v7 =	vsel vm4, s1, v7;
	s1 =	sshrl.u32 s29, $0x1F;
	s30 =	sshra.s32 s18, $0x1F;
	s10 =	sld [smem:$0x7FC]  }
0xb4: {  	v6 =	vsel vm1, s14, v6;
	v5 =	vsel vm2, s12, v5;
	s12 =	smulhi.u32 $0x431BDE83, s18;
	v9 =	vsel vm2, s26, v9;
	s13 =	sadd.s32 s13, s28;
	s28 =	sld [smem:$0x7FD]  }
0xb5: {  	v6 =	vsel vm2, s11, v6;
	v4 =	vsel vm1, s9, v4;
	s9 =	sshrl.u32 s23, $0x1F;
	s11 =	smul.u32 $0x431BDE83, s30;
	s26 =	spop (v2sf);
	v9 =	vsel vm4, s17, v9  }
0xb6: {  	v4 =	vsel vm2, s19, v4;
	v5 =	vcombine.low v6, v5;
	s29 =	sshra.s32 s26, $0x1F;
	s18 =	rddreg [dreg:$0x11];
	v9 =	vsel vm5, s6, v9;
	s6 =	smulhi.u32 $0x431BDE83, s26  }
0xb7: {  	vm15 =	vcmask $0x2F2C;
	v13 =	vmov s7;
	v4 =	vcombine.low v8, v4;
	s26 =	sshra.s32 s2, $0x12;
	s28 =	sadd.s32 s10, s28;
	s10 =	sshra.s32 s31, $0x1F  }
0xb8: {  	v11 =	vmov s1;
	v5 =	vperm.xlane v5, v0;
	s1 =	sadd.s32 s11, s12;
	s14 =	sshra.s32 s18, $0x12;
	v7 =	vsel vm14, s10, v7;
	s10 =	sshrl.u32 s18, $0x1F  }
0xb9: {  	v4 =	vperm.xlane v4, v0;
	v9 =	vsel vm6, s15, v9;
	s18 =	sshra.s32 s23, $0x12;
	v7 =	vsel vm5, s8, v7;
	s8 =	sshra.s32 s23, $0x1F;
	s23 =	rddreg [dreg:$0xd]  }
0xba: {  	v9 =	vsel vm7, s5, v9;
	v12 =	vmov s14;
	s14 =	rddreg [dreg:$0xb];
	s30 =	sshra.s32 s13, $0x12;
	v7 =	vsel vm15, s24, v7;
	s24 =	sshra.s32 s23, $0x1F  }
0xbb: {  	v12 =	vsel vm0, s26, v12;
	v9 =	vperm.xlane v9, v1;
	s31 =	sshra.s32 s13, $0x1F;
	s13 =	sshrl.u32 s13, $0x1F;
	v10 =	vmov s24;
	s24 =	rddreg [dreg:$0xc]  }
0xbc: {  	s2 =	sshrl.u32 s2, $0x1F;
	v15 =	vmov s13;
	s26 =	sshrl.u32 s28, $0x1F;
	v7 =	vsel vm6, s25, v7;
	s25 =	rddreg [dreg:$0xe];
	v10 =	vsel vm11, s30, v10  }
0xbd: {  	v14 =	vmov s10;
	s10 =	sshra.s32 s14, $0x12;
	v7 =	vsel vm3, s16, v7;
	s15 =	sshra.s32 s24, $0x12;
	s16 =	sshrl.u32 s25, $0x1F;
	v10 =	vsel vm9, s31, v10  }
0xbe: {  	s17 =	sshra.s32 s24, $0x1F;
	s30 =	spop (v2sf);
	v7 =	vsel vm7, s21, v7;
	s21 =	smul.u32 $0x431BDE83, s29;
	vm9 =	vcmask $0xF0C;
	v10 =	vsel vm0, s18, v10  }
0xbf: {  	v15 =	vnsel vm11, $0x0, v15;
	v14 =	vsel vm0, s2, v14;
	s29 =	sshra.s32 s28, $0x12;
	s31 =	sshrl.u32 s14, $0x1F;
	s19 =	spop (v2sf);
	v10 =	vsel vm9, s8, v10  }
0xc0: {  	v15 =	vsel vm0, s9, v15;
	s18 =	sshra.s32 s1, $0x12;
	v11 =	vsel vm0, s31, v11;
	s28 =	smulhi.u32 $0x431BDE83, s19;
	s31 =	rddreg [dreg:$0xa];
	v10 =	vsel vm1, s4, v10  }
0xc1: {  	v13 =	vsel vm0, s10, v13;
	v14 =	vsel vm1, s26, v14;
	s5 =	sadd.s32 s21, s6;
	s8 =	sshra.s32 s30, $0x1F;
	s21 =	smulhi.u32 $0x431BDE83, s30;
	v10 =	vsel vm12, s3, v10  }
0xc2: {  	v15 =	vsel vm1, s0, v15;
	v12 =	vsel vm1, s29, v12;
	s1 =	sshrl.u32 s1, $0x1F;
	s9 =	sshra.s32 s31, $0x12;
	s6 =	smul.u32 $0x431BDE83, s8;
	v10 =	vsel vm2, s15, v10  }
0xc3: {  	v7 =	vperm.xlane v7, v1;
	v11 =	vsel vm1, s16, v11;
	s11 =	sshra.s32 s31, $0x1F;
	s16 =	sshra.s32 s25, $0x12;
	s3 =	sshra.s32 s19, $0x1F;
	v10 =	vsel vm13, s17, v10  }
0xc4: {  	v12 =	vsel vm2, s18, v12;
	v14 =	vsel vm2, s1, v14;
	s13 =	sshrl.u32 s5, $0x1F;
	s29 =	smul.u32 $0x431BDE83, s3;
	s30 =	sadd.s32 s6, s21;
	v10 =	vsel vm4, s9, v10  }
0xc5: {  	v13 =	vsel vm1, s16, v13;
	v11 =	vsel vm2, s13, v11;
	s19 =	sshra.s32 s5, $0x12;
	s15 =	sshrl.u32 s24, $0x1F;
	s14 =	sshra.s32 s30, $0x12;
	v10 =	vsel vm14, s11, v10  }
0xc6: {  	s18 =	sshrl.u32 s31, $0x1F;
	v13 =	vsel vm2, s19, v13;
	s17 =	sshra.s32 s30, $0x1F;
	v15 =	vsel vm2, s15, v15;
	s12 =	sadd.s32 s29, s28;
	v10 =	vsel vm5, s14, v10  }
0xc7: {  	v58 =	vcombine.low v14, v11;
	s25 =	sshrl.u32 s30, $0x1F;
	v15 =	vsel vm4, s18, v15;
	s21 =	sshra.s32 s12, $0x12;
	v10 =	vsel vm15, s17, v10  }
0xc8: {  	v59 =	vcombine.low v12, v13;
	s24 =	sshra.s32 s12, $0x1F;
	v60 =	vsel vm5, s25, v15;
	s28 =	sshrl.u32 s12, $0x1F;
	v10 =	vsel vm6, s21, v10  }
0xc9: {  	s26 =	sshra.s32 s23, $0x12;
	s29 =	sshrl.u32 s23, $0x1F;
	v6 =	vperm.xlane v58, v0;
	v11 =	vsel vm6, s28, v60;
	v10 =	vsel vm3, s24, v10  }
0xca: {  	v8 =	vperm.xlane v59, v0;
	v11 =	vsel vm7, s29, v11;
	v10 =	vsel vm7, s26, v10  }
0xcb: {  	v11 =	vperm.xlane v11, v1;
	v10 =	vperm.xlane v10, v1  }
0xcc: {  	v5 =	vsel vm8, v9, v5;
	v4 =	vsel vm8, v7, v4  }
0xcd: {  	v4 =	vadd.s32 v5, v4;
	v61 =	vsel vm8, v11, v6;
	v62 =	vsel vm8, v10, v8  }
0xce: {  	v4 =	vmul.u32 $0xF4240, v4;
	v5 =	vadd.s32 v61, v62  }
0xcf: {  	v5 =	vmul.u32 $0xF4240, v5  }
0xd0: {  	v2 =	vsub.s32 v2, v4  }
0xd1: {  	vm9 =	vlt.s32 v2, $0x0;
	v4 =	vadd.s32 $0xF4240, v2;
	v3 =	vsub.s32 v3, v5  }
0xd2: {  	s7 =	simm.s32 $0xF000;
	s10 =	simm.s32 $0x19000;
	s31 =	simm.s32 $0x2800;
	v2 =	vsel vm9, v4, v2;
	vm9 =	vlt.s32 v3, $0x0;
	v63 =	vadd.s32 $0xF4240, v3  }
0xd3: {  	s4 =	simm.s32 $0x5;
	s8 =	simm.s32 $0x0;
	s5 =	simm.s32 $0x140;
	[tilespmem:s20+$0x2800] =	vst v2;
	v2 =	vsel vm9, v63, v3  }
0xd4: {  	s13 =	simm.s32 $0x19800;
	s30 =	rddreg [dreg:$0x6];
	s20 =	simm.s32 $0x0;
	[tilespmem:s22+$0x2800] =	vst v2  }
0xd5: {  	[hbm4b:s30+s20] =	stream.linear.scatter [tilespmem:s31], [sflag:$0x5], $0x2800, $0x38;
	[tilespmem:$0x1A000] =	vst v63  }
0xd6: {  	s6 =	simm.s32 $0x5000;
	s9 =	simm.s32 $0x1;
	_ =	swait.ge [sflag:s4], $0x2800  }
0xd7: {  	s11 =	simm.s32 $0x2;
	[sflag:s4] =	ssyncset.done $0x0;
	s3 =	rddreg [dreg:$0x4]  }
0xd8: {  	s12 =	simm.s32 $0x4;
	s2 =	rddreg [dreg:$0x7];
	[sflag:s4] =	ssyncadd.s32 $0xFFFFD800  }
0xd9: {  	vm15 =	vmmov vm3;
	[tilespmem:s6], [sflag:$0x1] =	stream.indirect.gather [hbm4b:s3+s5], $0x80, s31, s5, $0xb8;
	[tilespmem:$0x1A000] =	vst v63  }
.LBB2_4:
0xda: {  	s21 =	sshllo.u32 s20, $0x1  }
0xdb: {  	s0 =	smul.u32 $0x500, s21;
	_ =	sdelay $0x1  }
0xdc: {  	s0 =	sshra.s32 s0, $0x2  }
0xdd: {  	s0 =	sadd.s32 $0x2800, s0  }
0xde: {  	[tilespmem:s7], [sflag:$0x2] =	stream.indirect.gather [hbm4b:s3+s5], $0x80, s0, s5, $0xb8;
	[tilespmem:$0x1A000] =	vst v63  }
0xdf: {  	_ =	swait.ge [sflag:s9], $0xA000  }
0xe0: {  	p0 =	seq.s32 s20, $0x0;
	[sflag:s9] =	ssyncset.done $0x0  }
0xe1: {  	s0 =	simm.s32 @!p0 $0x3;
	[sflag:s9] =	ssyncadd.s32 $0xFFFF6000  }
0xe2: {  	_ =	swait.ge @!p0 [sflag:s0], $0x800  }
0xe3: {  	[sflag:s0] =	ssyncset.done @!p0 $0x0  }
0xe4: {  	s22 =	simm.s32 $0x5500;
	[sflag:s0] =	ssyncadd.s32 @!p0 $0xFFFFF800  }
0xe5: {  	v2 =	vld [tilespmem:s22+$0xB0]  }
0xe6: {  	v3 =	vld [tilespmem:s22+$0x80]  }
0xe7: {  	v4 =	vld [tilespmem:s22+$0x30]  }
0xe8: {  	v5 =	vld [tilespmem:s22+$0x0]  }
0xe9: {  	v6 =	vld [tilespmem:s22+$0xFFFFFFB0]  }
0xea: {  	v7 =	vld [tilespmem:s22+$0xFFFFFF20]  }
0xeb: {  	v8 =	vld [tilespmem:s22+$0xFFFFFF10]  }
0xec: {  	v9 =	vld [tilespmem:s22+$0xFFFFFF00]  }
0xed: {  	v10 =	vld [tilespmem:s22+$0xFFFFFEB0]  }
0xee: {  	v11 =	vld [tilespmem:s22+$0xFFFFFEA0]  }
0xef: {  	v12 =	vld [tilespmem:s22+$0xFFFFFE90]  }
0xf0: {  	v13 =	vld [tilespmem:s22+$0xFFFFFE80]  }
0xf1: {  	v14 =	vld [tilespmem:s22+$0xFFFFFE30]  }
0xf2: {  	v15 =	vld [tilespmem:s22+$0xFFFFFE20]  }
0xf3: {  	v16 =	vld [tilespmem:s22+$0xFFFFFE10]  }
0xf4: {  	v17 =	vld [tilespmem:s22+$0xFFFFFE00]  }
0xf5: {  	v18 =	vld [tilespmem:s22+$0xFFFFFDB0]  }
0xf6: {  	v19 =	vld [tilespmem:s22+$0xFFFFFDA0]  }
0xf7: {  	v20 =	vld [tilespmem:s22+$0xFFFFFD80]  }
0xf8: {  	v21 =	vld [tilespmem:s22+$0xFFFFFD30]  }
0xf9: {  	v22 =	vld [tilespmem:s22+$0xFFFFFD20]  }
0xfa: {  	v23 =	vld [tilespmem:s22+$0xFFFFFD00]  }
0xfb: {  	v24 =	vld [tilespmem:s22+$0xFFFFFCB0]  }
0xfc: {  	v25 =	vld [tilespmem:s22+$0xFFFFFCA0]  }
0xfd: {  	v26 =	vld [tilespmem:s22+$0x2B0]  }
0xfe: {  	v27 =	vld [tilespmem:s22+$0xFFFFFC80]  }
0xff: {  	v28 =	vld [tilespmem:s22+$0xFFFFFC30]  }
0x100: {  	v29 =	vld [tilespmem:s22+$0xFFFFFC20]  }
0x101: {  	v30 =	vld [tilespmem:s22+$0x200]  }
0x102: {  	v31 =	vld [tilespmem:s22+$0xFFFFFB90]  }
0x103: {  	v32 =	vld [tilespmem:s22+$0xFFFFFC00]  }
0x104: {  	v33 =	vld [tilespmem:s22+$0xFFFFFB00]  }
0x105: {  	v34 =	vld [tilespmem:s22+$0xFFFFFBB0]  }
0x106: {  	v35 =	vld [tilespmem:s22+$0xFFFFFBA0]  }
0x107: {  	v36 =	vld [tilespmem:s22+$0x1B0]  }
0x108: {  	v37 =	vld [tilespmem:s22+$0xFFFFFB80]  }
0x109: {  	v38 =	vld [tilespmem:s22+$0xFFFFFB30]  }
0x10a: {  	v39 =	vld [tilespmem:s22+$0xFFFFFF80]  }
0x10b: {  	v40 =	vld [tilespmem:s22+$0xFFFFFF30]  }
0x10c: {  	v41 =	vld [tilespmem:s22+$0x100]  }
0x10d: {  	v42 =	vld [tilespmem:s22+$0x130]  }
0x10e: {  	v44 =	vld [tilespmem:s22+$0xFFFFFB20]  }
0x10f: {  	v43 =	vld [tilespmem:s22+$0x180]  }
0x110: {  	v45 =	vld [tilespmem:s22+$0x230]  }
0x111: {  	v54 =	vld [tilespmem:s22+$0xFFFFFB10]  }
0x112: {  	v46 =	vld [tilespmem:s22+$0x280];
	v33 =	vadd.f32 v37, v33  }
0x113: {  	v55 =	vld [tilespmem:s22+$0xFFFFFC10];
	v34 =	vadd.f32 v34, v38;
	v35 =	vadd.f32 v35, v44  }
0x114: {  	v56 =	vld [tilespmem:s22+$0xFFFFFC90];
	v32 =	vadd.f32 v32, v33  }
0x115: {  	v57 =	vld [tilespmem:s22+$0xFFFFFD10];
	v28 =	vadd.f32 v28, v34;
	v29 =	vadd.f32 v29, v35  }
0x116: {  	v59 =	vld [tilespmem:s22+$0xFFFFFD90];
	v31 =	vadd.f32 v31, v54;
	v27 =	vadd.f32 v27, v32  }
0x117: {  	v61 =	vld [tilespmem:s22+$0x380];
	v24 =	vadd.f32 v24, v28;
	v25 =	vadd.f32 v25, v29  }
0x118: {  	v63 =	vld [tilespmem:s22+$0x330];
	v58 =	vadd.f32 v55, v31;
	v23 =	vadd.f32 v23, v27  }
0x119: {  	v47 =	vld [tilespmem:s22+$0x120];
	v21 =	vadd.f32 v21, v24;
	v22 =	vadd.f32 v22, v25  }
0x11a: {  	v49 =	vld [tilespmem:s22+$0x110];
	v60 =	vadd.f32 v56, v58;
	v20 =	vadd.f32 v20, v23  }
0x11b: {  	v50 =	vld [tilespmem:s22+$0x1A0];
	v18 =	vadd.f32 v18, v21;
	v19 =	vadd.f32 v19, v22  }
0x11c: {  	v51 =	vld [tilespmem:s22+$0x400];
	v62 =	vadd.f32 v57, v60;
	v17 =	vadd.f32 v17, v20  }
0x11d: {  	v52 =	vld [tilespmem:s22+$0x220];
	v14 =	vadd.f32 v14, v18;
	v15 =	vadd.f32 v15, v19  }
0x11e: {  	v33 =	vld [tilespmem:s22+$0xFFFFFFA0];
	v31 =	vadd.f32 v59, v62;
	v13 =	vadd.f32 v13, v17  }
0x11f: {  	v53 =	vld [tilespmem:s22+$0x210];
	v10 =	vadd.f32 v10, v14;
	v11 =	vadd.f32 v11, v15  }
0x120: {  	v37 =	vld [tilespmem:s22+$0x20];
	v34 =	vadd.f32 v16, v31;
	v9 =	vadd.f32 v9, v13  }
0x121: {  	v35 =	vld [tilespmem:s22+$0xFFFFFF90];
	v10 =	vadd.f32 v40, v10;
	v7 =	vadd.f32 v7, v11  }
0x122: {  	v12 =	vadd.f32 v12, v34;
	v40 =	vld [tilespmem:s22+$0xA0];
	v9 =	vadd.f32 v39, v9  }
0x123: {  	v39 =	vld [tilespmem:s22+$0x10];
	v6 =	vadd.f32 v6, v10;
	v7 =	vadd.f32 v33, v7  }
0x124: {  	v38 =	vld [tilespmem:s22+$0x300];
	v8 =	vadd.f32 v8, v12;
	v5 =	vadd.f32 v5, v9  }
0x125: {  	v44 =	vld [tilespmem:s22+$0x90];
	v4 =	vadd.f32 v4, v6;
	v7 =	vadd.f32 v37, v7  }
0x126: {  	v54 =	vld [tilespmem:s22+$0x2A0];
	v48 =	vadd.f32 v35, v8;
	v3 =	vadd.f32 v3, v5  }
0x127: {  	v55 =	vld [tilespmem:s22+$0x290];
	v2 =	vadd.f32 v2, v4;
	v7 =	vadd.f32 v40, v7  }
0x128: {  	v29 =	vld [tilespmem:s22+$0x190];
	v6 =	vadd.f32 v39, v48;
	v3 =	vadd.f32 v41, v3  }
0x129: {  	v32 =	vld [tilespmem:s22+$0x480];
	v2 =	vadd.f32 v42, v2;
	v5 =	vadd.f32 v47, v7  }
0x12a: {  	v56 =	vld [tilespmem:s22+$0x320];
	v6 =	vadd.f32 v44, v6;
	v3 =	vadd.f32 v43, v3  }
0x12b: {  	v58 =	vld [tilespmem:s22+$0x3A0];
	v2 =	vadd.f32 v36, v2;
	v4 =	vadd.f32 v50, v5  }
0x12c: {  	v27 =	vld [tilespmem:s22+$0x3B0];
	v6 =	vadd.f32 v49, v6;
	v3 =	vadd.f32 v30, v3  }
0x12d: {  	v57 =	vld [tilespmem:s22+$0x310];
	v2 =	vadd.f32 v45, v2;
	v4 =	vadd.f32 v52, v4  }
0x12e: {  	v60 =	vld [tilespmem:s22+$0x420];
	v6 =	vadd.f32 v29, v6;
	v3 =	vadd.f32 v46, v3  }
0x12f: {  	v23 =	vld [tilespmem:s22+$0x430];
	v2 =	vadd.f32 v26, v2;
	v4 =	vadd.f32 v54, v4  }
0x130: {  	v59 =	vld [tilespmem:s22+$0x390];
	v6 =	vadd.f32 v53, v6;
	v3 =	vadd.f32 v38, v3  }
0x131: {  	v62 =	vld [tilespmem:s22+$0x4A0];
	v2 =	vadd.f32 v63, v2;
	v4 =	vadd.f32 v56, v4  }
0x132: {  	v20 =	vld [tilespmem:s22+$0x4B0];
	v6 =	vadd.f32 v55, v6;
	v3 =	vadd.f32 v61, v3  }
0x133: {  	v61 =	vld [tilespmem:s22+$0x410];
	v2 =	vadd.f32 v27, v2;
	v4 =	vadd.f32 v58, v4  }
0x134: {  	v6 =	vadd.f32 v57, v6;
	v3 =	vadd.f32 v51, v3  }
0x135: {  	v63 =	vld [tilespmem:s22+$0x490];
	v2 =	vadd.f32 v23, v2;
	v4 =	vadd.f32 v60, v4  }
0x136: {  	v6 =	vadd.f32 v59, v6;
	v3 =	vadd.f32 v32, v3  }
0x137: {  	s0 =	simm.s32 $0x0;
	v2 =	vadd.f32 v20, v2  }
0x138: {  	v4 =	vadd.f32 v62, v4;
	[tilespmem:s0+$0x19000] =	vst v3;
	v3 =	vadd.f32 v61, v6  }
0x139: {  	[tilespmem:s0+$0x19030] =	vst v2  }
0x13a: {  	s23 =	simm.s32 $0x200;
	[tilespmem:s0+$0x19020] =	vst v4;
	v2 =	vadd.f32 v63, v3  }
.LBB2_5:
0x13b: {  	p1 =	sne.s32 s23, $0x1E00  }
0x13c: {  	[tilespmem:s0+$0x19010] =	vst v2;
	s22 =	sadd.s32 $0xA00, s22;
	s0 =	smov.u32 s23;
	s23 =	sadd.s32 $0x200, s23  }
0x13d: {  	v2 =	vld [tilespmem:s22+$0xB0]  }
0x13e: {  	v3 =	vld [tilespmem:s22+$0x80]  }
0x13f: {  	v4 =	vld [tilespmem:s22+$0x30]  }
0x140: {  	v8 =	vld [tilespmem:s22+$0x0]  }
0x141: {  	v9 =	vld [tilespmem:s22+$0xFFFFFFB0]  }
0x142: {  	v6 =	vld [tilespmem:s22+$0xFFFFFF20]  }
0x143: {  	v5 =	vld [tilespmem:s22+$0xFFFFFF10]  }
0x144: {  	v12 =	vld [tilespmem:s22+$0xFFFFFF00]  }
0x145: {  	v13 =	vld [tilespmem:s22+$0xFFFFFEB0]  }
0x146: {  	v11 =	vld [tilespmem:s22+$0xFFFFFEA0]  }
0x147: {  	v10 =	vld [tilespmem:s22+$0xFFFFFE90]  }
0x148: {  	v14 =	vld [tilespmem:s22+$0xFFFFFE80]  }
0x149: {  	v15 =	vld [tilespmem:s22+$0xFFFFFE30]  }
0x14a: {  	v16 =	vld [tilespmem:s22+$0xFFFFFE20]  }
0x14b: {  	v17 =	vld [tilespmem:s22+$0xFFFFFE10]  }
0x14c: {  	v18 =	vld [tilespmem:s22+$0xFFFFFE00]  }
0x14d: {  	v19 =	vld [tilespmem:s22+$0xFFFFFDB0]  }
0x14e: {  	v20 =	vld [tilespmem:s22+$0xFFFFFDA0]  }
0x14f: {  	v21 =	vld [tilespmem:s22+$0xFFFFFD80]  }
0x150: {  	v22 =	vld [tilespmem:s22+$0xFFFFFD30]  }
0x151: {  	v23 =	vld [tilespmem:s22+$0xFFFFFD20]  }
0x152: {  	v24 =	vld [tilespmem:s22+$0xFFFFFD00]  }
0x153: {  	v25 =	vld [tilespmem:s22+$0xFFFFFCB0]  }
0x154: {  	v26 =	vld [tilespmem:s22+$0xFFFFFCA0]  }
0x155: {  	v7 =	vld [tilespmem:s22+$0x2B0]  }
0x156: {  	v27 =	vld [tilespmem:s22+$0xFFFFFC80]  }
0x157: {  	v28 =	vld [tilespmem:s22+$0xFFFFFC30]  }
0x158: {  	v29 =	vld [tilespmem:s22+$0xFFFFFC20]  }
0x159: {  	v30 =	vld [tilespmem:s22+$0x200]  }
0x15a: {  	v31 =	vld [tilespmem:s22+$0xFFFFFB90]  }
0x15b: {  	v32 =	vld [tilespmem:s22+$0xFFFFFC00]  }
0x15c: {  	v33 =	vld [tilespmem:s22+$0xFFFFFB00]  }
0x15d: {  	v34 =	vld [tilespmem:s22+$0xFFFFFBB0]  }
0x15e: {  	v35 =	vld [tilespmem:s22+$0xFFFFFBA0]  }
0x15f: {  	v36 =	vld [tilespmem:s22+$0x1B0]  }
0x160: {  	v37 =	vld [tilespmem:s22+$0xFFFFFB80]  }
0x161: {  	v38 =	vld [tilespmem:s22+$0xFFFFFB30]  }
0x162: {  	v39 =	vld [tilespmem:s22+$0xFFFFFF80]  }
0x163: {  	v40 =	vld [tilespmem:s22+$0xFFFFFF30]  }
0x164: {  	v41 =	vld [tilespmem:s22+$0x100]  }
0x165: {  	v33 =	vadd.f32 v37, v33;
	v37 =	vld [tilespmem:s22+$0x130]  }
0x166: {  	v34 =	vadd.f32 v34, v38;
	v38 =	vld [tilespmem:s22+$0x180]  }
0x167: {  	v32 =	vadd.f32 v32, v33;
	v33 =	vld [tilespmem:s22+$0x230]  }
0x168: {  	v42 =	vld [tilespmem:s22+$0xFFFFFB20];
	v28 =	vadd.f32 v28, v34  }
0x169: {  	v34 =	vld [tilespmem:s22+$0xFFFFFB10];
	v27 =	vadd.f32 v27, v32  }
0x16a: {  	v25 =	vadd.f32 v25, v28;
	v28 =	vld [tilespmem:s22+$0x280]  }
0x16b: {  	v32 =	vld [tilespmem:s22+$0xFFFFFC10];
	v24 =	vadd.f32 v24, v27  }
0x16c: {  	v22 =	vadd.f32 v22, v25;
	v25 =	vld [tilespmem:s22+$0x300]  }
0x16d: {  	v27 =	vadd.f32 v35, v42;
	v35 =	vld [tilespmem:s22+$0xFFFFFC90]  }
0x16e: {  	v21 =	vadd.f32 v21, v24;
	v31 =	vadd.f32 v31, v34;
	v34 =	vld [tilespmem:s22+$0xFFFFFD10]  }
0x16f: {  	v19 =	vadd.f32 v19, v22;
	v24 =	vadd.f32 v29, v27;
	v22 =	vld [tilespmem:s22+$0x3B0]  }
0x170: {  	v18 =	vadd.f32 v18, v21;
	v27 =	vadd.f32 v32, v31;
	v29 =	vld [tilespmem:s22+$0xFFFFFD90]  }
0x171: {  	v15 =	vadd.f32 v15, v19;
	v21 =	vadd.f32 v26, v24;
	v19 =	vld [tilespmem:s22+$0x430]  }
0x172: {  	v14 =	vadd.f32 v14, v18;
	v24 =	vadd.f32 v35, v27;
	v18 =	vld [tilespmem:s22+$0x380]  }
0x173: {  	v13 =	vadd.f32 v13, v15;
	v21 =	vadd.f32 v23, v21;
	v15 =	vld [tilespmem:s22+$0x4B0]  }
0x174: {  	v12 =	vadd.f32 v12, v14;
	v23 =	vadd.f32 v34, v24;
	v14 =	vld [tilespmem:s22+$0x330]  }
0x175: {  	v13 =	vadd.f32 v40, v13;
	v20 =	vadd.f32 v20, v21;
	v21 =	vld [tilespmem:s22+$0x190]  }
0x176: {  	v12 =	vadd.f32 v39, v12;
	v23 =	vadd.f32 v29, v23;
	v24 =	vld [tilespmem:s22+$0x480]  }
0x177: {  	v9 =	vadd.f32 v9, v13;
	v16 =	vadd.f32 v16, v20;
	v13 =	vld [tilespmem:s22+$0x400]  }
0x178: {  	v17 =	vadd.f32 v17, v23;
	v20 =	vld [tilespmem:s22+$0xFFFFFFA0]  }
0x179: {  	v8 =	vadd.f32 v8, v12;
	v11 =	vadd.f32 v11, v16;
	v16 =	vld [tilespmem:s22+$0xFFFFFF90]  }
0x17a: {  	v4 =	vadd.f32 v4, v9;
	v10 =	vadd.f32 v10, v17;
	v12 =	vld [tilespmem:s22+$0x20]  }
0x17b: {  	v3 =	vadd.f32 v3, v8;
	v6 =	vadd.f32 v6, v11;
	v9 =	vld [tilespmem:s22+$0x10]  }
0x17c: {  	v2 =	vadd.f32 v2, v4;
	v5 =	vadd.f32 v5, v10;
	v8 =	vld [tilespmem:s22+$0xA0]  }
0x17d: {  	v3 =	vadd.f32 v41, v3;
	v4 =	vadd.f32 v20, v6;
	v6 =	vld [tilespmem:s22+$0x90]  }
0x17e: {  	v2 =	vadd.f32 v37, v2;
	v5 =	vadd.f32 v16, v5;
	v10 =	vld [tilespmem:s22+$0x120]  }
0x17f: {  	v3 =	vadd.f32 v38, v3;
	v4 =	vadd.f32 v12, v4;
	v11 =	vld [tilespmem:s22+$0x110]  }
0x180: {  	v2 =	vadd.f32 v36, v2;
	v5 =	vadd.f32 v9, v5;
	v9 =	vld [tilespmem:s22+$0x1A0]  }
0x181: {  	v3 =	vadd.f32 v30, v3;
	v4 =	vadd.f32 v8, v4;
	v8 =	vld [tilespmem:s22+$0x210]  }
0x182: {  	v2 =	vadd.f32 v33, v2;
	v5 =	vadd.f32 v6, v5;
	v6 =	vld [tilespmem:s22+$0x220]  }
0x183: {  	v3 =	vadd.f32 v28, v3;
	v4 =	vadd.f32 v10, v4;
	v10 =	vld [tilespmem:s22+$0x290]  }
0x184: {  	v2 =	vadd.f32 v7, v2;
	v5 =	vadd.f32 v11, v5;
	v11 =	vld [tilespmem:s22+$0x2A0]  }
0x185: {  	v3 =	vadd.f32 v25, v3;
	v4 =	vadd.f32 v9, v4;
	v7 =	vld [tilespmem:s22+$0x320]  }
0x186: {  	v2 =	vadd.f32 v14, v2;
	v5 =	vadd.f32 v21, v5;
	v9 =	vld [tilespmem:s22+$0x310]  }
0x187: {  	v3 =	vadd.f32 v18, v3;
	v4 =	vadd.f32 v6, v4;
	v6 =	vld [tilespmem:s22+$0x3A0]  }
0x188: {  	v2 =	vadd.f32 v22, v2;
	v5 =	vadd.f32 v8, v5;
	v8 =	vld [tilespmem:s22+$0x390]  }
0x189: {  	v3 =	vadd.f32 v13, v3;
	v4 =	vadd.f32 v11, v4;
	v11 =	vld [tilespmem:s22+$0x420]  }
0x18a: {  	v2 =	vadd.f32 v19, v2;
	v5 =	vadd.f32 v10, v5;
	v10 =	vld [tilespmem:s22+$0x410]  }
0x18b: {  	v3 =	vadd.f32 v24, v3;
	v4 =	vadd.f32 v7, v4;
	v7 =	vld [tilespmem:s22+$0x4A0]  }
0x18c: {  	s0 =	sshra.s32 s0, $0x2;
	v2 =	vadd.f32 v15, v2;
	v5 =	vadd.f32 v9, v5;
	v9 =	vld [tilespmem:s22+$0x490]  }
0x18d: {  	v4 =	vadd.f32 v6, v4;
	[tilespmem:s0+$0x19000] =	vst v3  }
0x18e: {  	v3 =	vadd.f32 v8, v5;
	[tilespmem:s0+$0x19030] =	vst v2  }
.Ltmp1:
0x18f: {  	v2 =	vadd.f32 v11, v4;
	(pc) =	sbr.rel @p1 .LBB2_5-.Ltmp1, $4  }
0x190: {  	v3 =	vadd.f32 v10, v3  }
0x191: {  	v4 =	vadd.f32 v7, v2  }
0x192: {  	v2 =	vadd.f32 v9, v3  }
0x193: {  	[tilespmem:s0+$0x19020] =	vst v4  }
0x194: {  	p1 =	sne.s32 s20, $0xF  }
.Ltmp2:
0x195: {  	_ = 	snop;
	(pc) =	sbr.rel @p1 .LBB2_8-.Ltmp2, $4  }
0x196: {  	_ = 	snop  }
0x197: {  	s1 =	sshll.u32 s20, $0x9  }
0x198: {  	[tilespmem:s0+$0x19010] =	vst v2;
	s31 =	sadd.s32 s1, s2  }
0x199: {  	[hbm4b:s31+s8] =	stream.linear.scatter [tilespmem:s10], [sflag:$0x3], $0x800, $0x38;
	[tilespmem:$0x1A000] =	vst v63  }
.Ltmp3:
0x19a: {  	(pc) =	sbr.rel .LBB2_9-.Ltmp3, $4  }
0x19b: {  	_ = 	snop  }
0x19c: {  	_ =	swait.ge [sflag:s11], $0xA000  }
0x19d: {  	[sflag:s11] =	ssyncset.done $0x0  }
0x19e: {  	[sflag:s11] =	ssyncadd.s32 $0xFFFF6000  }
.LBB2_8:
0x19f: {  	s0 =	smul.u32 $0xA00, s20;
	_ =	sdelay $0x1  }
0x1a0: {  	s0 =	sshra.s32 s0, $0x2  }
.Ltmp4:
0x1a1: {  	s0 =	sadd.s32 $0x2A80, s0;
	(pc) =	sbr.rel @p0 .LBB2_10-.Ltmp4, $4  }
0x1a2: {  	[tilespmem:s6], [sflag:$0x1] =	stream.indirect.gather [hbm4b:s3+s5], $0x80, s0, s5, $0xb8;
	[tilespmem:$0x1A000] =	vst v63  }
0x1a3: {  	_ =	swait.ge [sflag:s11], $0xA000  }
0x1a4: {  	[sflag:s11] =	ssyncset.done $0x0  }
0x1a5: {  	[sflag:s11] =	ssyncadd.s32 $0xFFFF6000  }
.LBB2_9:
0x1a6: {  	_ =	swait.ge [sflag:s12], $0x800  }
0x1a7: {  	[sflag:s12] =	ssyncset.done $0x0  }
0x1a8: {  	[sflag:s12] =	ssyncadd.s32 $0xFFFFF800  }
.LBB2_10:
0x1a9: {  	s22 =	simm.s32 $0xF500  }
0x1aa: {  	v2 =	vld [tilespmem:s22+$0xB0]  }
0x1ab: {  	v3 =	vld [tilespmem:s22+$0x80]  }
0x1ac: {  	v4 =	vld [tilespmem:s22+$0x30]  }
0x1ad: {  	v5 =	vld [tilespmem:s22+$0x0]  }
0x1ae: {  	v6 =	vld [tilespmem:s22+$0xFFFFFFB0]  }
0x1af: {  	v7 =	vld [tilespmem:s22+$0xFFFFFF20]  }
0x1b0: {  	v8 =	vld [tilespmem:s22+$0xFFFFFF10]  }
0x1b1: {  	v9 =	vld [tilespmem:s22+$0xFFFFFF00]  }
0x1b2: {  	v10 =	vld [tilespmem:s22+$0xFFFFFEB0]  }
0x1b3: {  	v11 =	vld [tilespmem:s22+$0xFFFFFEA0]  }
0x1b4: {  	v12 =	vld [tilespmem:s22+$0xFFFFFE90]  }
0x1b5: {  	v13 =	vld [tilespmem:s22+$0xFFFFFE80]  }
0x1b6: {  	v14 =	vld [tilespmem:s22+$0xFFFFFE30]  }
0x1b7: {  	v15 =	vld [tilespmem:s22+$0xFFFFFE20]  }
0x1b8: {  	v16 =	vld [tilespmem:s22+$0xFFFFFE10]  }
0x1b9: {  	v17 =	vld [tilespmem:s22+$0xFFFFFE00]  }
0x1ba: {  	v18 =	vld [tilespmem:s22+$0xFFFFFDB0]  }
0x1bb: {  	v19 =	vld [tilespmem:s22+$0xFFFFFDA0]  }
0x1bc: {  	v20 =	vld [tilespmem:s22+$0xFFFFFD80]  }
0x1bd: {  	v21 =	vld [tilespmem:s22+$0xFFFFFD30]  }
0x1be: {  	v22 =	vld [tilespmem:s22+$0xFFFFFD20]  }
0x1bf: {  	v23 =	vld [tilespmem:s22+$0xFFFFFD00]  }
0x1c0: {  	v24 =	vld [tilespmem:s22+$0xFFFFFCB0]  }
0x1c1: {  	v25 =	vld [tilespmem:s22+$0xFFFFFCA0]  }
0x1c2: {  	v26 =	vld [tilespmem:s22+$0x2B0]  }
0x1c3: {  	v27 =	vld [tilespmem:s22+$0xFFFFFC80]  }
0x1c4: {  	v28 =	vld [tilespmem:s22+$0xFFFFFC30]  }
0x1c5: {  	v29 =	vld [tilespmem:s22+$0xFFFFFC20]  }
0x1c6: {  	v30 =	vld [tilespmem:s22+$0x200]  }
0x1c7: {  	v31 =	vld [tilespmem:s22+$0xFFFFFB90]  }
0x1c8: {  	v32 =	vld [tilespmem:s22+$0xFFFFFC00]  }
0x1c9: {  	v33 =	vld [tilespmem:s22+$0xFFFFFB00]  }
0x1ca: {  	v34 =	vld [tilespmem:s22+$0xFFFFFBB0]  }
0x1cb: {  	v35 =	vld [tilespmem:s22+$0xFFFFFBA0]  }
0x1cc: {  	v36 =	vld [tilespmem:s22+$0x1B0]  }
0x1cd: {  	v37 =	vld [tilespmem:s22+$0xFFFFFB80]  }
0x1ce: {  	v38 =	vld [tilespmem:s22+$0xFFFFFB30]  }
0x1cf: {  	v39 =	vld [tilespmem:s22+$0xFFFFFF80]  }
0x1d0: {  	v40 =	vld [tilespmem:s22+$0xFFFFFF30]  }
0x1d1: {  	v41 =	vld [tilespmem:s22+$0x100]  }
0x1d2: {  	v42 =	vld [tilespmem:s22+$0x130]  }
0x1d3: {  	v44 =	vld [tilespmem:s22+$0xFFFFFB20]  }
0x1d4: {  	v43 =	vld [tilespmem:s22+$0x180]  }
0x1d5: {  	v45 =	vld [tilespmem:s22+$0x230]  }
0x1d6: {  	v54 =	vld [tilespmem:s22+$0xFFFFFB10]  }
0x1d7: {  	v46 =	vld [tilespmem:s22+$0x280];
	v33 =	vadd.f32 v37, v33  }
0x1d8: {  	v55 =	vld [tilespmem:s22+$0xFFFFFC10];
	v34 =	vadd.f32 v34, v38;
	v35 =	vadd.f32 v35, v44  }
0x1d9: {  	v56 =	vld [tilespmem:s22+$0xFFFFFC90];
	v32 =	vadd.f32 v32, v33  }
0x1da: {  	v57 =	vld [tilespmem:s22+$0xFFFFFD10];
	v28 =	vadd.f32 v28, v34;
	v29 =	vadd.f32 v29, v35  }
0x1db: {  	v59 =	vld [tilespmem:s22+$0xFFFFFD90];
	v31 =	vadd.f32 v31, v54;
	v27 =	vadd.f32 v27, v32  }
0x1dc: {  	v61 =	vld [tilespmem:s22+$0x380];
	v24 =	vadd.f32 v24, v28;
	v25 =	vadd.f32 v25, v29  }
0x1dd: {  	v63 =	vld [tilespmem:s22+$0x330];
	v58 =	vadd.f32 v55, v31;
	v23 =	vadd.f32 v23, v27  }
0x1de: {  	v47 =	vld [tilespmem:s22+$0x120];
	v21 =	vadd.f32 v21, v24;
	v22 =	vadd.f32 v22, v25  }
0x1df: {  	v49 =	vld [tilespmem:s22+$0x110];
	v60 =	vadd.f32 v56, v58;
	v20 =	vadd.f32 v20, v23  }
0x1e0: {  	v50 =	vld [tilespmem:s22+$0x1A0];
	v18 =	vadd.f32 v18, v21;
	v19 =	vadd.f32 v19, v22  }
0x1e1: {  	v51 =	vld [tilespmem:s22+$0x400];
	v62 =	vadd.f32 v57, v60;
	v17 =	vadd.f32 v17, v20  }
0x1e2: {  	v52 =	vld [tilespmem:s22+$0x220];
	v14 =	vadd.f32 v14, v18;
	v15 =	vadd.f32 v15, v19  }
0x1e3: {  	v33 =	vld [tilespmem:s22+$0xFFFFFFA0];
	v31 =	vadd.f32 v59, v62;
	v13 =	vadd.f32 v13, v17  }
0x1e4: {  	v53 =	vld [tilespmem:s22+$0x210];
	v10 =	vadd.f32 v10, v14;
	v11 =	vadd.f32 v11, v15  }
0x1e5: {  	v37 =	vld [tilespmem:s22+$0x20];
	v34 =	vadd.f32 v16, v31;
	v9 =	vadd.f32 v9, v13  }
0x1e6: {  	v35 =	vld [tilespmem:s22+$0xFFFFFF90];
	v10 =	vadd.f32 v40, v10;
	v7 =	vadd.f32 v7, v11  }
0x1e7: {  	v12 =	vadd.f32 v12, v34;
	v40 =	vld [tilespmem:s22+$0xA0];
	v9 =	vadd.f32 v39, v9  }
0x1e8: {  	v39 =	vld [tilespmem:s22+$0x10];
	v6 =	vadd.f32 v6, v10;
	v7 =	vadd.f32 v33, v7  }
0x1e9: {  	v38 =	vld [tilespmem:s22+$0x300];
	v8 =	vadd.f32 v8, v12;
	v5 =	vadd.f32 v5, v9  }
0x1ea: {  	v44 =	vld [tilespmem:s22+$0x90];
	v4 =	vadd.f32 v4, v6;
	v7 =	vadd.f32 v37, v7  }
0x1eb: {  	v54 =	vld [tilespmem:s22+$0x2A0];
	v48 =	vadd.f32 v35, v8;
	v3 =	vadd.f32 v3, v5  }
0x1ec: {  	v55 =	vld [tilespmem:s22+$0x290];
	v2 =	vadd.f32 v2, v4;
	v7 =	vadd.f32 v40, v7  }
0x1ed: {  	v29 =	vld [tilespmem:s22+$0x190];
	v6 =	vadd.f32 v39, v48;
	v3 =	vadd.f32 v41, v3  }
0x1ee: {  	v32 =	vld [tilespmem:s22+$0x480];
	v2 =	vadd.f32 v42, v2;
	v5 =	vadd.f32 v47, v7  }
0x1ef: {  	v56 =	vld [tilespmem:s22+$0x320];
	v6 =	vadd.f32 v44, v6;
	v3 =	vadd.f32 v43, v3  }
0x1f0: {  	v58 =	vld [tilespmem:s22+$0x3A0];
	v2 =	vadd.f32 v36, v2;
	v4 =	vadd.f32 v50, v5  }
0x1f1: {  	v27 =	vld [tilespmem:s22+$0x3B0];
	v6 =	vadd.f32 v49, v6;
	v3 =	vadd.f32 v30, v3  }
0x1f2: {  	v57 =	vld [tilespmem:s22+$0x310];
	v2 =	vadd.f32 v45, v2;
	v4 =	vadd.f32 v52, v4  }
0x1f3: {  	v60 =	vld [tilespmem:s22+$0x420];
	v6 =	vadd.f32 v29, v6;
	v3 =	vadd.f32 v46, v3  }
0x1f4: {  	v23 =	vld [tilespmem:s22+$0x430];
	v2 =	vadd.f32 v26, v2;
	v4 =	vadd.f32 v54, v4  }
0x1f5: {  	v59 =	vld [tilespmem:s22+$0x390];
	v6 =	vadd.f32 v53, v6;
	v3 =	vadd.f32 v38, v3  }
0x1f6: {  	v62 =	vld [tilespmem:s22+$0x4A0];
	v2 =	vadd.f32 v63, v2;
	v4 =	vadd.f32 v56, v4  }
0x1f7: {  	v20 =	vld [tilespmem:s22+$0x4B0];
	v6 =	vadd.f32 v55, v6;
	v3 =	vadd.f32 v61, v3  }
0x1f8: {  	v61 =	vld [tilespmem:s22+$0x410];
	v2 =	vadd.f32 v27, v2;
	v4 =	vadd.f32 v58, v4  }
0x1f9: {  	v6 =	vadd.f32 v57, v6;
	v3 =	vadd.f32 v51, v3  }
0x1fa: {  	v63 =	vld [tilespmem:s22+$0x490];
	v2 =	vadd.f32 v23, v2;
	v4 =	vadd.f32 v60, v4  }
0x1fb: {  	v6 =	vadd.f32 v59, v6;
	v3 =	vadd.f32 v32, v3  }
0x1fc: {  	s0 =	simm.s32 $0x0;
	v2 =	vadd.f32 v20, v2  }
0x1fd: {  	v4 =	vadd.f32 v62, v4;
	[tilespmem:s0+$0x19800] =	vst v3;
	v3 =	vadd.f32 v61, v6  }
0x1fe: {  	[tilespmem:s0+$0x19830] =	vst v2  }
0x1ff: {  	s23 =	simm.s32 $0x200;
	[tilespmem:s0+$0x19820] =	vst v4;
	v2 =	vadd.f32 v63, v3  }
.LBB2_11:
0x200: {  	p0 =	sne.s32 s23, $0x1E00  }
0x201: {  	[tilespmem:s0+$0x19810] =	vst v2;
	s22 =	sadd.s32 $0xA00, s22;
	s0 =	smov.u32 s23;
	s23 =	sadd.s32 $0x200, s23  }
0x202: {  	v2 =	vld [tilespmem:s22+$0xB0]  }
0x203: {  	v3 =	vld [tilespmem:s22+$0x80]  }
0x204: {  	v4 =	vld [tilespmem:s22+$0x30]  }
0x205: {  	v8 =	vld [tilespmem:s22+$0x0]  }
0x206: {  	v9 =	vld [tilespmem:s22+$0xFFFFFFB0]  }
0x207: {  	v6 =	vld [tilespmem:s22+$0xFFFFFF20]  }
0x208: {  	v5 =	vld [tilespmem:s22+$0xFFFFFF10]  }
0x209: {  	v12 =	vld [tilespmem:s22+$0xFFFFFF00]  }
0x20a: {  	v13 =	vld [tilespmem:s22+$0xFFFFFEB0]  }
0x20b: {  	v11 =	vld [tilespmem:s22+$0xFFFFFEA0]  }
0x20c: {  	v10 =	vld [tilespmem:s22+$0xFFFFFE90]  }
0x20d: {  	v14 =	vld [tilespmem:s22+$0xFFFFFE80]  }
0x20e: {  	v15 =	vld [tilespmem:s22+$0xFFFFFE30]  }
0x20f: {  	v16 =	vld [tilespmem:s22+$0xFFFFFE20]  }
0x210: {  	v17 =	vld [tilespmem:s22+$0xFFFFFE10]  }
0x211: {  	v18 =	vld [tilespmem:s22+$0xFFFFFE00]  }
0x212: {  	v19 =	vld [tilespmem:s22+$0xFFFFFDB0]  }
0x213: {  	v20 =	vld [tilespmem:s22+$0xFFFFFDA0]  }
0x214: {  	v21 =	vld [tilespmem:s22+$0xFFFFFD80]  }
0x215: {  	v22 =	vld [tilespmem:s22+$0xFFFFFD30]  }
0x216: {  	v23 =	vld [tilespmem:s22+$0xFFFFFD20]  }
0x217: {  	v24 =	vld [tilespmem:s22+$0xFFFFFD00]  }
0x218: {  	v25 =	vld [tilespmem:s22+$0xFFFFFCB0]  }
0x219: {  	v26 =	vld [tilespmem:s22+$0xFFFFFCA0]  }
0x21a: {  	v7 =	vld [tilespmem:s22+$0x2B0]  }
0x21b: {  	v27 =	vld [tilespmem:s22+$0xFFFFFC80]  }
0x21c: {  	v28 =	vld [tilespmem:s22+$0xFFFFFC30]  }
0x21d: {  	v29 =	vld [tilespmem:s22+$0xFFFFFC20]  }
0x21e: {  	v30 =	vld [tilespmem:s22+$0x200]  }
0x21f: {  	v31 =	vld [tilespmem:s22+$0xFFFFFB90]  }
0x220: {  	v32 =	vld [tilespmem:s22+$0xFFFFFC00]  }
0x221: {  	v33 =	vld [tilespmem:s22+$0xFFFFFB00]  }
0x222: {  	v34 =	vld [tilespmem:s22+$0xFFFFFBB0]  }
0x223: {  	v35 =	vld [tilespmem:s22+$0xFFFFFBA0]  }
0x224: {  	v36 =	vld [tilespmem:s22+$0x1B0]  }
0x225: {  	v37 =	vld [tilespmem:s22+$0xFFFFFB80]  }
0x226: {  	v38 =	vld [tilespmem:s22+$0xFFFFFB30]  }
0x227: {  	v39 =	vld [tilespmem:s22+$0xFFFFFF80]  }
0x228: {  	v40 =	vld [tilespmem:s22+$0xFFFFFF30]  }
0x229: {  	v41 =	vld [tilespmem:s22+$0x100]  }
0x22a: {  	v33 =	vadd.f32 v37, v33;
	v37 =	vld [tilespmem:s22+$0x130]  }
0x22b: {  	v34 =	vadd.f32 v34, v38;
	v38 =	vld [tilespmem:s22+$0x180]  }
0x22c: {  	v32 =	vadd.f32 v32, v33;
	v33 =	vld [tilespmem:s22+$0x230]  }
0x22d: {  	v42 =	vld [tilespmem:s22+$0xFFFFFB20];
	v28 =	vadd.f32 v28, v34  }
0x22e: {  	v34 =	vld [tilespmem:s22+$0xFFFFFB10];
	v27 =	vadd.f32 v27, v32  }
0x22f: {  	v25 =	vadd.f32 v25, v28;
	v28 =	vld [tilespmem:s22+$0x280]  }
0x230: {  	v32 =	vld [tilespmem:s22+$0xFFFFFC10];
	v24 =	vadd.f32 v24, v27  }
0x231: {  	v22 =	vadd.f32 v22, v25;
	v25 =	vld [tilespmem:s22+$0x300]  }
0x232: {  	v27 =	vadd.f32 v35, v42;
	v35 =	vld [tilespmem:s22+$0xFFFFFC90]  }
0x233: {  	v21 =	vadd.f32 v21, v24;
	v31 =	vadd.f32 v31, v34;
	v34 =	vld [tilespmem:s22+$0xFFFFFD10]  }
0x234: {  	v19 =	vadd.f32 v19, v22;
	v24 =	vadd.f32 v29, v27;
	v22 =	vld [tilespmem:s22+$0x3B0]  }
0x235: {  	v18 =	vadd.f32 v18, v21;
	v27 =	vadd.f32 v32, v31;
	v29 =	vld [tilespmem:s22+$0xFFFFFD90]  }
0x236: {  	v15 =	vadd.f32 v15, v19;
	v21 =	vadd.f32 v26, v24;
	v19 =	vld [tilespmem:s22+$0x430]  }
0x237: {  	v14 =	vadd.f32 v14, v18;
	v24 =	vadd.f32 v35, v27;
	v18 =	vld [tilespmem:s22+$0x380]  }
0x238: {  	v13 =	vadd.f32 v13, v15;
	v21 =	vadd.f32 v23, v21;
	v15 =	vld [tilespmem:s22+$0x4B0]  }
0x239: {  	v12 =	vadd.f32 v12, v14;
	v23 =	vadd.f32 v34, v24;
	v14 =	vld [tilespmem:s22+$0x330]  }
0x23a: {  	v13 =	vadd.f32 v40, v13;
	v20 =	vadd.f32 v20, v21;
	v21 =	vld [tilespmem:s22+$0x190]  }
0x23b: {  	v12 =	vadd.f32 v39, v12;
	v23 =	vadd.f32 v29, v23;
	v24 =	vld [tilespmem:s22+$0x480]  }
0x23c: {  	v9 =	vadd.f32 v9, v13;
	v16 =	vadd.f32 v16, v20;
	v13 =	vld [tilespmem:s22+$0x400]  }
0x23d: {  	v17 =	vadd.f32 v17, v23;
	v20 =	vld [tilespmem:s22+$0xFFFFFFA0]  }
0x23e: {  	v8 =	vadd.f32 v8, v12;
	v11 =	vadd.f32 v11, v16;
	v16 =	vld [tilespmem:s22+$0xFFFFFF90]  }
0x23f: {  	v4 =	vadd.f32 v4, v9;
	v10 =	vadd.f32 v10, v17;
	v12 =	vld [tilespmem:s22+$0x20]  }
0x240: {  	v3 =	vadd.f32 v3, v8;
	v6 =	vadd.f32 v6, v11;
	v9 =	vld [tilespmem:s22+$0x10]  }
0x241: {  	v2 =	vadd.f32 v2, v4;
	v5 =	vadd.f32 v5, v10;
	v8 =	vld [tilespmem:s22+$0xA0]  }
0x242: {  	v3 =	vadd.f32 v41, v3;
	v4 =	vadd.f32 v20, v6;
	v6 =	vld [tilespmem:s22+$0x90]  }
0x243: {  	v2 =	vadd.f32 v37, v2;
	v5 =	vadd.f32 v16, v5;
	v10 =	vld [tilespmem:s22+$0x120]  }
0x244: {  	v3 =	vadd.f32 v38, v3;
	v4 =	vadd.f32 v12, v4;
	v11 =	vld [tilespmem:s22+$0x110]  }
0x245: {  	v2 =	vadd.f32 v36, v2;
	v5 =	vadd.f32 v9, v5;
	v9 =	vld [tilespmem:s22+$0x1A0]  }
0x246: {  	v3 =	vadd.f32 v30, v3;
	v4 =	vadd.f32 v8, v4;
	v8 =	vld [tilespmem:s22+$0x210]  }
0x247: {  	v2 =	vadd.f32 v33, v2;
	v5 =	vadd.f32 v6, v5;
	v6 =	vld [tilespmem:s22+$0x220]  }
0x248: {  	v3 =	vadd.f32 v28, v3;
	v4 =	vadd.f32 v10, v4;
	v10 =	vld [tilespmem:s22+$0x290]  }
0x249: {  	v2 =	vadd.f32 v7, v2;
	v5 =	vadd.f32 v11, v5;
	v11 =	vld [tilespmem:s22+$0x2A0]  }
0x24a: {  	v3 =	vadd.f32 v25, v3;
	v4 =	vadd.f32 v9, v4;
	v7 =	vld [tilespmem:s22+$0x320]  }
0x24b: {  	v2 =	vadd.f32 v14, v2;
	v5 =	vadd.f32 v21, v5;
	v9 =	vld [tilespmem:s22+$0x310]  }
0x24c: {  	v3 =	vadd.f32 v18, v3;
	v4 =	vadd.f32 v6, v4;
	v6 =	vld [tilespmem:s22+$0x3A0]  }
0x24d: {  	v2 =	vadd.f32 v22, v2;
	v5 =	vadd.f32 v8, v5;
	v8 =	vld [tilespmem:s22+$0x390]  }
0x24e: {  	v3 =	vadd.f32 v13, v3;
	v4 =	vadd.f32 v11, v4;
	v11 =	vld [tilespmem:s22+$0x420]  }
0x24f: {  	v2 =	vadd.f32 v19, v2;
	v5 =	vadd.f32 v10, v5;
	v10 =	vld [tilespmem:s22+$0x410]  }
0x250: {  	v3 =	vadd.f32 v24, v3;
	v4 =	vadd.f32 v7, v4;
	v7 =	vld [tilespmem:s22+$0x4A0]  }
0x251: {  	s0 =	sshra.s32 s0, $0x2;
	v2 =	vadd.f32 v15, v2;
	v5 =	vadd.f32 v9, v5;
	v9 =	vld [tilespmem:s22+$0x490]  }
0x252: {  	v4 =	vadd.f32 v6, v4;
	[tilespmem:s0+$0x19800] =	vst v3  }
0x253: {  	v3 =	vadd.f32 v8, v5;
	[tilespmem:s0+$0x19830] =	vst v2  }
.Ltmp5:
0x254: {  	v2 =	vadd.f32 v11, v4;
	(pc) =	sbr.rel @p0 .LBB2_11-.Ltmp5, $4  }
0x255: {  	v3 =	vadd.f32 v10, v3  }
0x256: {  	v4 =	vadd.f32 v7, v2  }
0x257: {  	v2 =	vadd.f32 v9, v3  }
0x258: {  	[tilespmem:s0+$0x19820] =	vst v4  }
0x259: {  	s20 =	sadd.s32 $0x1, s20  }
0x25a: {  	p0 =	sne.s32 s20, $0x10  }
.Ltmp6:
0x25b: {  	_ = 	snop;
	(pc) =	sbr.rel @p0 .LBB2_4-.Ltmp6, $4  }
0x25c: {  	_ = 	snop  }
0x25d: {  	s1 =	sshll.u32 s21, $0x8  }
0x25e: {  	[tilespmem:s0+$0x19810] =	vst v2;
	s31 =	sadd.s32 s1, s2  }
0x25f: {  	[hbm4b:s31+s8] =	stream.linear.scatter [tilespmem:s13], [sflag:$0x4], $0x800, $0x38;
	[tilespmem:$0x1A000] =	vst v63  }
0x260: {  	s0 =	simm.s32 $0x3  }
0x261: {  	_ =	swait.ge [sflag:s0], $0x800  }
0x262: {  	[sflag:s0] =	ssyncset.done $0x0  }
0x263: {  	[sflag:s0] =	ssyncadd.s32 $0xFFFFF800  }
0x264: {  	_ =	swait.ge [sflag:s12], $0x800  }
0x265: {  	s1 =	rddreg [dreg:$0x9]  }
0x266: {  	s31 =	rddreg [dreg:$0x8];
	s1 =	sadd.s32 $0x1, s1  }
0x267: {  	p0 =	sne.s32 s1, s31  }
.Ltmp7:
0x268: {  	_ = 	snop;
	(pc) =	sbr.rel @p0 .LBB2_1-.Ltmp7, $3  }
0x269: {  	_ =	sdelay $0x1  }
0x26a: {  	[sflag:s12] =	ssyncset.done $0x0  }
0x26b: {  	vm9 =	vmmov vm10;
	vm11 =	vcmask $0x300;
	[sflag:s12] =	ssyncadd.s32 $0xFFFFF800  }
0x26c: {  	_ =	sfence.sel $0x180000  }
0x26d: {  	[bflag:$0x0] =	sbarrier.arrive $0xFFFF  }
0x26e: {  	_ =	strace $0x90000047  }
0x26f: {  	s0 =	stileid.u32;
	[bflag:$0x2] =	sbarrier.arrive $0xFFFF  }
0x270: {  	p0 =	sne.s32 s0, $0x0;
	s0 =	rddreg [dreg:$0x3]  }
0x271: {  	s0 =	sadd.s32 @!p0 $0x100000, s0  }
0x272: {  	[sflag:s0] =	ssyncadd.tile.s32 @!p0 $0x1;
	_ =	shalt  }
.Lfunc_end2:
_tile_overlayer_lowered:
.L_overlay_start_2:
0x273: {  	(tag) =	ssettag $0x2  }
0x274: {  	s0 =	rddreg [dreg:$0x0];
	s2 =	stileid.u32  }
0x275: {  	s1 =	rddreg [dreg:$0x1];
	p0 =	sne.s32 s2, $0x0  }
0x276: {  	s3 =	rddreg [dreg:$0x2];
	[bflag:$0x3] =	sbarrier.arrive $0xFFFF;
	s2 =	simm.s32 @!p0 $0x1C05  }
0x277: {  	[timem:s3], [sflag:s2] =	dma.local @!p0 [hbm:s0], s1  }
0x278: {  	s0 =	simm.s32 @!p0 $0x5  }
0x279: {  	_ =	swait.ge @!p0 [sflag:s0], s1  }
0x27a: {  	s1 =	ssub.s32 @!p0 $0x0, s1;
	[sflag:s0] =	ssyncset.done @!p0 $0x0  }
0x27b: {  	[sflag:s0] =	ssyncadd.s32 @!p0 s1  }
0x27c: {  	[bflag:$0x3] =	sbarrier.arrive $0xFFFF  }
0x27d: {  	_ =	shalt  }

</sc_bundles>
